<compile_context>
chip_gen: v7x
topology: tpu7x:2x2x1
jax: 0.10.2.dev20260603
libtpu: 0.0.44.dev20260713+nightly
codegen_flags: <defaults>
</compile_context>

<pallas_src>
import functools

import jax
import jax.numpy as jnp
from jax import lax
from jax.experimental import pallas as pl
from jax.experimental.pallas import tpu as pltpu
from jax.experimental.pallas import tpu_sc as plsc

N_NODES = 10000
D = 128
DH = D // 2
N_EDGES = 320000
LN_EPS = 1e-5
GN_EPS = 1e-5

NC = 2
NS = 16
CHUNK = 128
K = 160
E_PAD = NS * K * CHUNK
N_PAD = 10112
ROWS_PER_TILE = N_PAD // NS
NBUF = 5
GAP = 3
OUT_S = 2

_mesh = plsc.VectorSubcoreMesh(core_axis_name="c", subcore_axis_name="s")


@functools.partial(
    pl.kernel,
    out_type=jax.ShapeDtypeStruct((NC, N_PAD, DH), jnp.float32),
    mesh=_mesh,
    compiler_params=pltpu.CompilerParams(use_tc_tiling_on_sc=False),
    scratch_types=[
        pltpu.VMEM((K, CHUNK), jnp.int32),
        pltpu.VMEM((K, CHUNK), jnp.int32),
        [pltpu.VMEM((CHUNK, DH), jnp.float32)] * NBUF,
        pltpu.VMEM_SHARED((N_PAD, DH), jnp.float32),
        pltpu.SemaphoreType.DMA,
        pltpu.SemaphoreType.DMA,
    ],
)
def _segment_sum_sc(x2_hbm, src_hbm, dst_hbm, zeros_hbm, out_hbm,
                    src_v, dst_v, rows, agg_sh, sem_g, sem_s):
    c = lax.axis_index("c")
    s = lax.axis_index("s")
    pltpu.sync_copy(zeros_hbm, agg_sh.at[pl.ds(s * ROWS_PER_TILE, ROWS_PER_TILE)])
    pltpu.sync_copy(src_hbm.at[c, pl.ds(s * K, K)], src_v)
    pltpu.sync_copy(dst_hbm.at[pl.ds(s * K, K)], dst_v)
    plsc.subcore_barrier()

    for b in range(GAP):
        pltpu.async_copy(x2_hbm.at[src_v.at[b]], rows[b], sem_g)

    def body(g, carry):
        j0 = g * NBUF
        for b in range(NBUF):
            j = j0 + b
            pltpu.make_async_copy(x2_hbm.at[src_v.at[j]], rows[b], sem_g).wait()
            pltpu.async_copy(rows[b], agg_sh.at[dst_v.at[j]], sem_s, add=True)

            @pl.when(j >= OUT_S)
            def _():
                pltpu.make_async_copy(rows[(b - OUT_S) % NBUF],
                                      agg_sh.at[dst_v.at[j - OUT_S]],
                                      sem_s).wait()

            @pl.when(j + GAP < K)
            def _():
                jn = j + GAP
                pltpu.async_copy(x2_hbm.at[src_v.at[jn]],
                                 rows[(b + GAP) % NBUF], sem_g)
        return carry

    lax.fori_loop(0, K // NBUF, body, 0)
    for t in range(OUT_S):
        jd = K - OUT_S + t
        pltpu.make_async_copy(rows[jd % NBUF],
                              agg_sh.at[dst_v.at[jd]], sem_s).wait()
    plsc.subcore_barrier()
    pltpu.sync_copy(agg_sh.at[pl.ds(s * ROWS_PER_TILE, ROWS_PER_TILE)],
                    out_hbm.at[c, pl.ds(s * ROWS_PER_TILE, ROWS_PER_TILE)])


def _ln(h, w, b):
    mu = jnp.mean(h, axis=1, keepdims=True)
    d_ = h - mu
    var = jnp.mean(d_ * d_, axis=1, keepdims=True)
    return d_ * lax.rsqrt(var + LN_EPS) * w + b


def _dense_body(x_ref, agg_ref, w1t_ref, ln1w_ref, ln1b_ref, w2t_ref,
                ln2w_ref, ln2b_ref, gnw_ref, gnb_ref, gnms_ref, out_ref):
    agg = jnp.concatenate([agg_ref[0, :N_NODES, :], agg_ref[1, :N_NODES, :]],
                          axis=1)
    h = x_ref[...] + agg
    h = jnp.dot(h, w1t_ref[...], preferred_element_type=jnp.float32)
    h = jnp.maximum(_ln(h, ln1w_ref[...], ln1b_ref[...]), 0.0)
    h = jnp.dot(h, w2t_ref[...], preferred_element_type=jnp.float32)
    h = jnp.maximum(_ln(h, ln2w_ref[...], ln2b_ref[...]), 0.0)
    mean = jnp.mean(h, axis=0, keepdims=True)
    o = h - gnms_ref[...] * mean
    var = jnp.mean(o * o, axis=0, keepdims=True)
    out_ref[...] = o * lax.rsqrt(var + GN_EPS) * gnw_ref[...] + gnb_ref[...]


_dense = pl.pallas_call(
    _dense_body,
    out_shape=jax.ShapeDtypeStruct((N_NODES, D), jnp.float32),
)


def kernel(x, edge_index, W1, ln1_w, ln1_b, W2, ln2_w, ln2_b,
           gn_weight, gn_bias, gn_mean_scale):
    xp = jnp.zeros((N_PAD, D), jnp.float32).at[:N_NODES].set(x)
    x2 = jnp.concatenate([xp[:, :DH], xp[:, DH:]], axis=0)
    pad = jnp.full((E_PAD - N_EDGES,), N_NODES, jnp.int32)
    src = jnp.concatenate([edge_index[0], pad]).reshape(NS * K, CHUNK)
    srcb = jnp.stack([src, src + N_PAD])
    dstp = jnp.concatenate([edge_index[1], pad]).reshape(NS * K, CHUNK)
    zeros = jnp.zeros((ROWS_PER_TILE, DH), jnp.float32)
    agg2 = _segment_sum_sc(x2, srcb, dstp, zeros)
    r = lambda v: v.reshape(1, D)
    return _dense(x, agg2, W1.T, r(ln1_w), r(ln1_b), W2.T, r(ln2_w),
                  r(ln2_b), r(gn_weight), r(gn_bias), r(gn_mean_scale))

# --- scband reference (transcript-rebuilt; emitter-appended) ---
"""Pipeline reference for scband-ginblock-3805341024429 (READ-ONLY COPY).

The authoritative reference and input builder live on the scoring server;
editing this copy changes nothing except your own understanding.
"""

import jax, jax.numpy as jnp
import numpy as np

N_NODES = 10000
N_EDGES = 320000
D = 128
GIN_EPS = 0.0
LN_EPS = 1e-5
GN_EPS = 1e-5


def _layer_norm(h, w, b):
    mu = jnp.mean(h, axis=-1, keepdims=True)
    var = jnp.mean((h - mu) ** 2, axis=-1, keepdims=True)
    return (h - mu) / jnp.sqrt(var + LN_EPS) * w + b


def setup_inputs(seed: int = 0) -> dict:
    key = jax.random.key(seed)
    ks = jax.random.split(key, 5)
    x = jax.random.normal(ks[0], (N_NODES, D), dtype=jnp.float32)
    edge_index = jax.random.randint(ks[1], (2, N_EDGES), 0, N_NODES, dtype=jnp.int32)
    # MLP params: Linear(no bias) -> LayerNorm -> ReLU, x2
    lim1 = 1.0 / np.sqrt(D)
    W1 = jax.random.uniform(ks[2], (D, D), minval=-lim1, maxval=lim1, dtype=jnp.float32)
    W2 = jax.random.uniform(ks[3], (D, D), minval=-lim1, maxval=lim1, dtype=jnp.float32)
    ln1_w = jnp.ones((D,), jnp.float32)
    ln1_b = jnp.zeros((D,), jnp.float32)
    ln2_w = jnp.ones((D,), jnp.float32)
    ln2_b = jnp.zeros((D,), jnp.float32)
    # GraphNorm params
    gn_weight = jnp.ones((D,), jnp.float32)
    gn_bias = jnp.zeros((D,), jnp.float32)
    gn_mean_scale = jnp.ones((D,), jnp.float32)
    return {
        "x": x,
        "edge_index": edge_index,
        "W1": W1,
        "ln1_w": ln1_w,
        "ln1_b": ln1_b,
        "W2": W2,
        "ln2_w": ln2_w,
        "ln2_b": ln2_b,
        "gn_weight": gn_weight,
        "gn_bias": gn_bias,
        "gn_mean_scale": gn_mean_scale,
    }


def reference(x, edge_index, W1, ln1_w, ln1_b, W2, ln2_w, ln2_b, gn_weight, gn_bias, gn_mean_scale):
    src = edge_index[0]
    dst = edge_index[1]
    # GINConv aggregate: sum of neighbor (source) features onto destination nodes
    agg = jax.ops.segment_sum(x[src], dst, num_segments=x.shape[0])
    h = (1.0 + GIN_EPS) * x + agg
    # MLP: Linear(bias=False) -> LayerNorm -> ReLU (x n_gin_fc_layers=2)
    h = h @ W1.T
    h = _layer_norm(h, ln1_w, ln1_b)
    h = jax.nn.relu(h)
    h = h @ W2.T
    h = _layer_norm(h, ln2_w, ln2_b)
    h = jax.nn.relu(h)
    # GraphNorm (single graph: stats over all nodes, per feature)
    mean = jnp.mean(h, axis=0, keepdims=True)
    out = h - gn_mean_scale * mean
    var = jnp.mean(out ** 2, axis=0, keepdims=True)
    out = out / jnp.sqrt(var + GN_EPS) * gn_weight + gn_bias
    return out

if __name__ == "__main__":
    import jax
    _d = setup_inputs()
    print(jax.jit(kernel)(*tuple(_d.values())))

</pallas_src>

<mosaic_0001>
#map = affine_map<(d0, d1) -> (0, 0)>
#map1 = affine_map<(d0, d1) -> (0, 0, 0)>
module attributes {stable_mosaic.version = 14 : i64} {
  func.func @_segment_sum_sc(%arg0: i32, %arg1: i32, %arg2: memref<20224x64xf32, #tpu.memory_space<hbm>>, %arg3: memref<2x2560x128xi32, #tpu.memory_space<hbm>>, %arg4: memref<2560x128xi32, #tpu.memory_space<hbm>>, %arg5: memref<632x64xf32, #tpu.memory_space<hbm>>, %arg6: memref<2x10112x64xf32, #tpu.memory_space<hbm>>, %arg7: memref<160x128xi32, #tpu.memory_space<vmem>>, %arg8: memref<160x128xi32, #tpu.memory_space<vmem>>, %arg9: memref<128x64xf32, #tpu.memory_space<vmem>>, %arg10: memref<128x64xf32, #tpu.memory_space<vmem>>, %arg11: memref<128x64xf32, #tpu.memory_space<vmem>>, %arg12: memref<128x64xf32, #tpu.memory_space<vmem>>, %arg13: memref<128x64xf32, #tpu.memory_space<vmem>>, %arg14: memref<10112x64xf32, #tpu.memory_space<vmem_shared>>, %arg15: memref<!tpu.dma_semaphore, #tpu.memory_space<semaphore_mem>>, %arg16: memref<!tpu.dma_semaphore, #tpu.memory_space<semaphore_mem>>) attributes {dimension_semantics = [#tpu.dimension_semantics<core_parallel>, #tpu.dimension_semantics<subcore_parallel>], iteration_bounds = array<i64: 2, 16>, scalar_prefetch = 0 : i64, scratch_operands = 10 : i64, tpu.core_type = #tpu.core_type<sc_vector_subcore>, window_params = [{transform_indices = #map}, {transform_indices = #map1}, {transform_indices = #map}, {transform_indices = #map}, {transform_indices = #map1}]} {
    %mul3A = arith.constant 632 : i32
    %mul3A_0 = arith.muli %arg1, %mul3A : i32
    "tpu.region"() ({
      %run_scoped3A = tpu.sem_alloc : memref<!tpu.dma_semaphore, #tpu.memory_space<semaphore_mem>>
      %dma_start3A_48 = arith.constant 0 : i32
      %dma_start3A_49 = tpu.memref_slice %arg14[%mul3A_0, %dma_start3A_48] : memref<10112x64xf32, #tpu.memory_space<vmem_shared>> -> memref<632x64xf32, #tpu.memory_space<vmem_shared>>
      tpu.enqueue_dma source(%arg5 : memref<632x64xf32, #tpu.memory_space<hbm>>) target(%dma_start3A_49 : memref<632x64xf32, #tpu.memory_space<vmem_shared>>) target_semaphore(%run_scoped3A : memref<!tpu.dma_semaphore, #tpu.memory_space<semaphore_mem>>)
      %dma_wait3A_50 = arith.constant 0 : i32
      %dma_wait3A_51 = tpu.memref_slice %arg14[%mul3A_0, %dma_wait3A_50] : memref<10112x64xf32, #tpu.memory_space<vmem_shared>> -> memref<632x64xf32, #tpu.memory_space<vmem_shared>>
      tpu.wait_dma2 semaphore(%run_scoped3A : memref<!tpu.dma_semaphore, #tpu.memory_space<semaphore_mem>>) src(%arg5 : memref<632x64xf32, #tpu.memory_space<hbm>>) dst(%dma_wait3A_51 : memref<632x64xf32, #tpu.memory_space<vmem_shared>>)
      tpu.yield
    }) : () -> ()
    %mul3A_1 = arith.constant 160 : i32
    %mul3A_2 = arith.muli %arg1, %mul3A_1 : i32
    "tpu.region"() ({
      %run_scoped3A = tpu.sem_alloc : memref<!tpu.dma_semaphore, #tpu.memory_space<semaphore_mem>>
      %dma_start3A_48 = arith.constant 0 : i32
      %dma_start3A_49 = tpu.memref_slice %arg3[%arg0, %mul3A_2, %dma_start3A_48] : memref<2x2560x128xi32, #tpu.memory_space<hbm>> -> memref<1x160x128xi32, #tpu.memory_space<hbm>>
      %dma_start3A_50 = tpu.memref_squeeze %dma_start3A_49 : memref<1x160x128xi32, #tpu.memory_space<hbm>> -> memref<160x128xi32, #tpu.memory_space<hbm>>
      %dma_start3A_51 = arith.constant 0 : i32
      %dma_start3A_52 = tpu.memref_slice %arg3[%arg0, %mul3A_2, %dma_start3A_51] : memref<2x2560x128xi32, #tpu.memory_space<hbm>> -> memref<1x160x128xi32, #tpu.memory_space<hbm>>
      %dma_start3A_53 = tpu.memref_squeeze %dma_start3A_52 : memref<1x160x128xi32, #tpu.memory_space<hbm>> -> memref<160x128xi32, #tpu.memory_space<hbm>>
      tpu.enqueue_dma source(%dma_start3A_53 : memref<160x128xi32, #tpu.memory_space<hbm>>) target(%arg7 : memref<160x128xi32, #tpu.memory_space<vmem>>) target_semaphore(%run_scoped3A : memref<!tpu.dma_semaphore, #tpu.memory_space<semaphore_mem>>)
      %dma_wait3A_54 = arith.constant 0 : i32
      %dma_wait3A_55 = tpu.memref_slice %arg3[%arg0, %mul3A_2, %dma_wait3A_54] : memref<2x2560x128xi32, #tpu.memory_space<hbm>> -> memref<1x160x128xi32, #tpu.memory_space<hbm>>
      %dma_wait3A_56 = tpu.memref_squeeze %dma_wait3A_55 : memref<1x160x128xi32, #tpu.memory_space<hbm>> -> memref<160x128xi32, #tpu.memory_space<hbm>>
      %dma_wait3A_57 = arith.constant 0 : i32
      %dma_wait3A_58 = tpu.memref_slice %arg3[%arg0, %mul3A_2, %dma_wait3A_57] : memref<2x2560x128xi32, #tpu.memory_space<hbm>> -> memref<1x160x128xi32, #tpu.memory_space<hbm>>
      %dma_wait3A_59 = tpu.memref_squeeze %dma_wait3A_58 : memref<1x160x128xi32, #tpu.memory_space<hbm>> -> memref<160x128xi32, #tpu.memory_space<hbm>>
      tpu.wait_dma2 semaphore(%run_scoped3A : memref<!tpu.dma_semaphore, #tpu.memory_space<semaphore_mem>>) src(%dma_wait3A_59 : memref<160x128xi32, #tpu.memory_space<hbm>>) dst(%arg7 : memref<160x128xi32, #tpu.memory_space<vmem>>)
      tpu.yield
    }) : () -> ()
    %mul3A_3 = arith.constant 160 : i32
    %mul3A_4 = arith.muli %arg1, %mul3A_3 : i32
    "tpu.region"() ({
      %run_scoped3A = tpu.sem_alloc : memref<!tpu.dma_semaphore, #tpu.memory_space<semaphore_mem>>
      %dma_start3A_48 = arith.constant 0 : i32
      %dma_start3A_49 = tpu.memref_slice %arg4[%mul3A_4, %dma_start3A_48] : memref<2560x128xi32, #tpu.memory_space<hbm>> -> memref<160x128xi32, #tpu.memory_space<hbm>>
      %dma_start3A_50 = arith.constant 0 : i32
      %dma_start3A_51 = tpu.memref_slice %arg4[%mul3A_4, %dma_start3A_50] : memref<2560x128xi32, #tpu.memory_space<hbm>> -> memref<160x128xi32, #tpu.memory_space<hbm>>
      tpu.enqueue_dma source(%dma_start3A_51 : memref<160x128xi32, #tpu.memory_space<hbm>>) target(%arg8 : memref<160x128xi32, #tpu.memory_space<vmem>>) target_semaphore(%run_scoped3A : memref<!tpu.dma_semaphore, #tpu.memory_space<semaphore_mem>>)
      %dma_wait3A_52 = arith.constant 0 : i32
      %dma_wait3A_53 = tpu.memref_slice %arg4[%mul3A_4, %dma_wait3A_52] : memref<2560x128xi32, #tpu.memory_space<hbm>> -> memref<160x128xi32, #tpu.memory_space<hbm>>
      %dma_wait3A_54 = arith.constant 0 : i32
      %dma_wait3A_55 = tpu.memref_slice %arg4[%mul3A_4, %dma_wait3A_54] : memref<2560x128xi32, #tpu.memory_space<hbm>> -> memref<160x128xi32, #tpu.memory_space<hbm>>
      tpu.wait_dma2 semaphore(%run_scoped3A : memref<!tpu.dma_semaphore, #tpu.memory_space<semaphore_mem>>) src(%dma_wait3A_55 : memref<160x128xi32, #tpu.memory_space<hbm>>) dst(%arg8 : memref<160x128xi32, #tpu.memory_space<vmem>>)
      tpu.yield
    }) : () -> ()
    %barrier3A = arith.constant 0 : index
    tpu.barrier barrier_id(%barrier3A)
    %dma_start3A = arith.constant 0 : i32
    %dma_start3A_5 = arith.constant 0 : i32
    %dma_start3A_6 = tpu.memref_slice %arg7[%dma_start3A, %dma_start3A_5] : memref<160x128xi32, #tpu.memory_space<vmem>> -> memref<1x128xi32, #tpu.memory_space<vmem>>
    %dma_start3A_7 = tpu.memref_squeeze %dma_start3A_6 : memref<1x128xi32, #tpu.memory_space<vmem>> -> memref<128xi32, #tpu.memory_space<vmem>>
    %dma_start3A_8 = arith.constant 0 : i32
    %dma_start3A_9 = arith.constant 0 : i32
    %dma_start3A_10 = tpu.memref_slice %arg2[%dma_start3A_8, %dma_start3A_9] : memref<20224x64xf32, #tpu.memory_space<hbm>> -> memref<20224x64xf32, #tpu.memory_space<hbm>>
    tpu.enqueue_indirect_dma source(%dma_start3A_10 : memref<20224x64xf32, #tpu.memory_space<hbm>>) target(%arg9 : memref<128x64xf32, #tpu.memory_space<vmem>>) offsets(%dma_start3A_7 : memref<128xi32, #tpu.memory_space<vmem>>) semaphore(%arg15 : memref<!tpu.dma_semaphore, #tpu.memory_space<semaphore_mem>>)
    %dma_start3A_11 = arith.constant 1 : i32
    %dma_start3A_12 = arith.constant 0 : i32
    %dma_start3A_13 = tpu.memref_slice %arg7[%dma_start3A_11, %dma_start3A_12] : memref<160x128xi32, #tpu.memory_space<vmem>> -> memref<1x128xi32, #tpu.memory_space<vmem>>
    %dma_start3A_14 = tpu.memref_squeeze %dma_start3A_13 : memref<1x128xi32, #tpu.memory_space<vmem>> -> memref<128xi32, #tpu.memory_space<vmem>>
    %dma_start3A_15 = arith.constant 0 : i32
    %dma_start3A_16 = arith.constant 0 : i32
    %dma_start3A_17 = tpu.memref_slice %arg2[%dma_start3A_15, %dma_start3A_16] : memref<20224x64xf32, #tpu.memory_space<hbm>> -> memref<20224x64xf32, #tpu.memory_space<hbm>>
    tpu.enqueue_indirect_dma source(%dma_start3A_17 : memref<20224x64xf32, #tpu.memory_space<hbm>>) target(%arg10 : memref<128x64xf32, #tpu.memory_space<vmem>>) offsets(%dma_start3A_14 : memref<128xi32, #tpu.memory_space<vmem>>) semaphore(%arg15 : memref<!tpu.dma_semaphore, #tpu.memory_space<semaphore_mem>>)
    %dma_start3A_18 = arith.constant 2 : i32
    %dma_start3A_19 = arith.constant 0 : i32
    %dma_start3A_20 = tpu.memref_slice %arg7[%dma_start3A_18, %dma_start3A_19] : memref<160x128xi32, #tpu.memory_space<vmem>> -> memref<1x128xi32, #tpu.memory_space<vmem>>
    %dma_start3A_21 = tpu.memref_squeeze %dma_start3A_20 : memref<1x128xi32, #tpu.memory_space<vmem>> -> memref<128xi32, #tpu.memory_space<vmem>>
    %dma_start3A_22 = arith.constant 0 : i32
    %dma_start3A_23 = arith.constant 0 : i32
    %dma_start3A_24 = tpu.memref_slice %arg2[%dma_start3A_22, %dma_start3A_23] : memref<20224x64xf32, #tpu.memory_space<hbm>> -> memref<20224x64xf32, #tpu.memory_space<hbm>>
    tpu.enqueue_indirect_dma source(%dma_start3A_24 : memref<20224x64xf32, #tpu.memory_space<hbm>>) target(%arg11 : memref<128x64xf32, #tpu.memory_space<vmem>>) offsets(%dma_start3A_21 : memref<128xi32, #tpu.memory_space<vmem>>) semaphore(%arg15 : memref<!tpu.dma_semaphore, #tpu.memory_space<semaphore_mem>>)
    %scan3A = arith.constant 0 : i32
    %scan3A_25 = arith.constant 0 : i32
    %scan3A_26 = arith.constant 32 : i32
    %scan3A_27 = arith.addi %scan3A_25, %scan3A_26 : i32
    %scan3A_28 = arith.constant 1 : i32
    scf.for %scan3A_48 = %scan3A_25 to %scan3A_27 step %scan3A_28  : i32 {
      %mul3A_49 = arith.constant 5 : i32
      %mul3A_50 = arith.muli %scan3A_48, %mul3A_49 : i32
      %add3A = arith.constant 0 : i32
      %add3A_51 = arith.addi %mul3A_50, %add3A : i32
      %dma_wait3A_52 = arith.constant 0 : i32
      %dma_wait3A_53 = tpu.memref_slice %arg7[%add3A_51, %dma_wait3A_52] : memref<160x128xi32, #tpu.memory_space<vmem>> -> memref<1x128xi32, #tpu.memory_space<vmem>>
      %dma_wait3A_54 = tpu.memref_squeeze %dma_wait3A_53 : memref<1x128xi32, #tpu.memory_space<vmem>> -> memref<128xi32, #tpu.memory_space<vmem>>
      %dma_wait3A_55 = arith.constant 0 : i32
      %dma_wait3A_56 = arith.constant 0 : i32
      %dma_wait3A_57 = tpu.memref_slice %arg2[%dma_wait3A_55, %dma_wait3A_56] : memref<20224x64xf32, #tpu.memory_space<hbm>> -> memref<20224x64xf32, #tpu.memory_space<hbm>>
      tpu.wait_indirect_dma semaphore(%arg15 : memref<!tpu.dma_semaphore, #tpu.memory_space<semaphore_mem>>) src(%dma_wait3A_57 : memref<20224x64xf32, #tpu.memory_space<hbm>>) dst(%arg9 : memref<128x64xf32, #tpu.memory_space<vmem>>)
      %dma_start3A_58 = arith.constant 0 : i32
      %dma_start3A_59 = tpu.memref_slice %arg8[%add3A_51, %dma_start3A_58] : memref<160x128xi32, #tpu.memory_space<vmem>> -> memref<1x128xi32, #tpu.memory_space<vmem>>
      %dma_start3A_60 = tpu.memref_squeeze %dma_start3A_59 : memref<1x128xi32, #tpu.memory_space<vmem>> -> memref<128xi32, #tpu.memory_space<vmem>>
      %dma_start3A_61 = arith.constant 0 : i32
      %dma_start3A_62 = arith.constant 0 : i32
      %dma_start3A_63 = tpu.memref_slice %arg14[%dma_start3A_61, %dma_start3A_62] : memref<10112x64xf32, #tpu.memory_space<vmem_shared>> -> memref<10112x64xf32, #tpu.memory_space<vmem_shared>>
      tpu.enqueue_indirect_dma source(%arg9 : memref<128x64xf32, #tpu.memory_space<vmem>>) target(%dma_start3A_63 : memref<10112x64xf32, #tpu.memory_space<vmem_shared>>) offsets(%dma_start3A_60 : memref<128xi32, #tpu.memory_space<vmem>>) semaphore(%arg16 : memref<!tpu.dma_semaphore, #tpu.memory_space<semaphore_mem>>) {add = true}
      %ge3A = arith.constant 2 : i32
      %ge3A_64 = arith.cmpi sge, %add3A_51, %ge3A : i32
      %convert_element_type3A = arith.extui %ge3A_64 : i1 to i32
      %cond3A = arith.constant 0 : i32
      %cond3A_65 = arith.cmpi ne, %convert_element_type3A, %cond3A : i32
      scf.if %cond3A_65 {
        %sub3A = arith.constant 2 : i32
        %sub3A_176 = arith.subi %add3A_51, %sub3A : i32
        %dma_wait3A_177 = arith.constant 0 : i32
        %dma_wait3A_178 = tpu.memref_slice %arg8[%sub3A_176, %dma_wait3A_177] : memref<160x128xi32, #tpu.memory_space<vmem>> -> memref<1x128xi32, #tpu.memory_space<vmem>>
        %dma_wait3A_179 = tpu.memref_squeeze %dma_wait3A_178 : memref<1x128xi32, #tpu.memory_space<vmem>> -> memref<128xi32, #tpu.memory_space<vmem>>
        %dma_wait3A_180 = arith.constant 0 : i32
        %dma_wait3A_181 = arith.constant 0 : i32
        %dma_wait3A_182 = tpu.memref_slice %arg14[%dma_wait3A_180, %dma_wait3A_181] : memref<10112x64xf32, #tpu.memory_space<vmem_shared>> -> memref<10112x64xf32, #tpu.memory_space<vmem_shared>>
        tpu.wait_indirect_dma semaphore(%arg16 : memref<!tpu.dma_semaphore, #tpu.memory_space<semaphore_mem>>) src(%arg12 : memref<128x64xf32, #tpu.memory_space<vmem>>) dst(%dma_wait3A_182 : memref<10112x64xf32, #tpu.memory_space<vmem_shared>>)
      } else {
      }
      %add3A_66 = arith.constant 3 : i32
      %add3A_67 = arith.addi %add3A_51, %add3A_66 : i32
      %lt3A = arith.constant 160 : i32
      %lt3A_68 = arith.cmpi slt, %add3A_67, %lt3A : i32
      %convert_element_type3A_69 = arith.extui %lt3A_68 : i1 to i32
      %cond3A_70 = arith.constant 0 : i32
      %cond3A_71 = arith.cmpi ne, %convert_element_type3A_69, %cond3A_70 : i32
      scf.if %cond3A_71 {
        %add3A_176 = arith.constant 3 : i32
        %add3A_177 = arith.addi %add3A_51, %add3A_176 : i32
        %dma_start3A_178 = arith.constant 0 : i32
        %dma_start3A_179 = tpu.memref_slice %arg7[%add3A_177, %dma_start3A_178] : memref<160x128xi32, #tpu.memory_space<vmem>> -> memref<1x128xi32, #tpu.memory_space<vmem>>
        %dma_start3A_180 = tpu.memref_squeeze %dma_start3A_179 : memref<1x128xi32, #tpu.memory_space<vmem>> -> memref<128xi32, #tpu.memory_space<vmem>>
        %dma_start3A_181 = arith.constant 0 : i32
        %dma_start3A_182 = arith.constant 0 : i32
        %dma_start3A_183 = tpu.memref_slice %arg2[%dma_start3A_181, %dma_start3A_182] : memref<20224x64xf32, #tpu.memory_space<hbm>> -> memref<20224x64xf32, #tpu.memory_space<hbm>>
        tpu.enqueue_indirect_dma source(%dma_start3A_183 : memref<20224x64xf32, #tpu.memory_space<hbm>>) target(%arg12 : memref<128x64xf32, #tpu.memory_space<vmem>>) offsets(%dma_start3A_180 : memref<128xi32, #tpu.memory_space<vmem>>) semaphore(%arg15 : memref<!tpu.dma_semaphore, #tpu.memory_space<semaphore_mem>>)
      } else {
      }
      %add3A_72 = arith.constant 1 : i32
      %add3A_73 = arith.addi %mul3A_50, %add3A_72 : i32
      %dma_wait3A_74 = arith.constant 0 : i32
      %dma_wait3A_75 = tpu.memref_slice %arg7[%add3A_73, %dma_wait3A_74] : memref<160x128xi32, #tpu.memory_space<vmem>> -> memref<1x128xi32, #tpu.memory_space<vmem>>
      %dma_wait3A_76 = tpu.memref_squeeze %dma_wait3A_75 : memref<1x128xi32, #tpu.memory_space<vmem>> -> memref<128xi32, #tpu.memory_space<vmem>>
      %dma_wait3A_77 = arith.constant 0 : i32
      %dma_wait3A_78 = arith.constant 0 : i32
      %dma_wait3A_79 = tpu.memref_slice %arg2[%dma_wait3A_77, %dma_wait3A_78] : memref<20224x64xf32, #tpu.memory_space<hbm>> -> memref<20224x64xf32, #tpu.memory_space<hbm>>
      tpu.wait_indirect_dma semaphore(%arg15 : memref<!tpu.dma_semaphore, #tpu.memory_space<semaphore_mem>>) src(%dma_wait3A_79 : memref<20224x64xf32, #tpu.memory_space<hbm>>) dst(%arg10 : memref<128x64xf32, #tpu.memory_space<vmem>>)
      %dma_start3A_80 = arith.constant 0 : i32
      %dma_start3A_81 = tpu.memref_slice %arg8[%add3A_73, %dma_start3A_80] : memref<160x128xi32, #tpu.memory_space<vmem>> -> memref<1x128xi32, #tpu.memory_space<vmem>>
      %dma_start3A_82 = tpu.memref_squeeze %dma_start3A_81 : memref<1x128xi32, #tpu.memory_space<vmem>> -> memref<128xi32, #tpu.memory_space<vmem>>
      %dma_start3A_83 = arith.constant 0 : i32
      %dma_start3A_84 = arith.constant 0 : i32
      %dma_start3A_85 = tpu.memref_slice %arg14[%dma_start3A_83, %dma_start3A_84] : memref<10112x64xf32, #tpu.memory_space<vmem_shared>> -> memref<10112x64xf32, #tpu.memory_space<vmem_shared>>
      tpu.enqueue_indirect_dma source(%arg10 : memref<128x64xf32, #tpu.memory_space<vmem>>) target(%dma_start3A_85 : memref<10112x64xf32, #tpu.memory_space<vmem_shared>>) offsets(%dma_start3A_82 : memref<128xi32, #tpu.memory_space<vmem>>) semaphore(%arg16 : memref<!tpu.dma_semaphore, #tpu.memory_space<semaphore_mem>>) {add = true}
      %ge3A_86 = arith.constant 2 : i32
      %ge3A_87 = arith.cmpi sge, %add3A_73, %ge3A_86 : i32
      %convert_element_type3A_88 = arith.extui %ge3A_87 : i1 to i32
      %cond3A_89 = arith.constant 0 : i32
      %cond3A_90 = arith.cmpi ne, %convert_element_type3A_88, %cond3A_89 : i32
      scf.if %cond3A_90 {
        %sub3A = arith.constant 2 : i32
        %sub3A_176 = arith.subi %add3A_73, %sub3A : i32
        %dma_wait3A_177 = arith.constant 0 : i32
        %dma_wait3A_178 = tpu.memref_slice %arg8[%sub3A_176, %dma_wait3A_177] : memref<160x128xi32, #tpu.memory_space<vmem>> -> memref<1x128xi32, #tpu.memory_space<vmem>>
        %dma_wait3A_179 = tpu.memref_squeeze %dma_wait3A_178 : memref<1x128xi32, #tpu.memory_space<vmem>> -> memref<128xi32, #tpu.memory_space<vmem>>
        %dma_wait3A_180 = arith.constant 0 : i32
        %dma_wait3A_181 = arith.constant 0 : i32
        %dma_wait3A_182 = tpu.memref_slice %arg14[%dma_wait3A_180, %dma_wait3A_181] : memref<10112x64xf32, #tpu.memory_space<vmem_shared>> -> memref<10112x64xf32, #tpu.memory_space<vmem_shared>>
        tpu.wait_indirect_dma semaphore(%arg16 : memref<!tpu.dma_semaphore, #tpu.memory_space<semaphore_mem>>) src(%arg13 : memref<128x64xf32, #tpu.memory_space<vmem>>) dst(%dma_wait3A_182 : memref<10112x64xf32, #tpu.memory_space<vmem_shared>>)
      } else {
      }
      %add3A_91 = arith.constant 3 : i32
      %add3A_92 = arith.addi %add3A_73, %add3A_91 : i32
      %lt3A_93 = arith.constant 160 : i32
      %lt3A_94 = arith.cmpi slt, %add3A_92, %lt3A_93 : i32
      %convert_element_type3A_95 = arith.extui %lt3A_94 : i1 to i32
      %cond3A_96 = arith.constant 0 : i32
      %cond3A_97 = arith.cmpi ne, %convert_element_type3A_95, %cond3A_96 : i32
      scf.if %cond3A_97 {
        %add3A_176 = arith.constant 3 : i32
        %add3A_177 = arith.addi %add3A_73, %add3A_176 : i32
        %dma_start3A_178 = arith.constant 0 : i32
        %dma_start3A_179 = tpu.memref_slice %arg7[%add3A_177, %dma_start3A_178] : memref<160x128xi32, #tpu.memory_space<vmem>> -> memref<1x128xi32, #tpu.memory_space<vmem>>
        %dma_start3A_180 = tpu.memref_squeeze %dma_start3A_179 : memref<1x128xi32, #tpu.memory_space<vmem>> -> memref<128xi32, #tpu.memory_space<vmem>>
        %dma_start3A_181 = arith.constant 0 : i32
        %dma_start3A_182 = arith.constant 0 : i32
        %dma_start3A_183 = tpu.memref_slice %arg2[%dma_start3A_181, %dma_start3A_182] : memref<20224x64xf32, #tpu.memory_space<hbm>> -> memref<20224x64xf32, #tpu.memory_space<hbm>>
        tpu.enqueue_indirect_dma source(%dma_start3A_183 : memref<20224x64xf32, #tpu.memory_space<hbm>>) target(%arg13 : memref<128x64xf32, #tpu.memory_space<vmem>>) offsets(%dma_start3A_180 : memref<128xi32, #tpu.memory_space<vmem>>) semaphore(%arg15 : memref<!tpu.dma_semaphore, #tpu.memory_space<semaphore_mem>>)
      } else {
      }
      %add3A_98 = arith.constant 2 : i32
      %add3A_99 = arith.addi %mul3A_50, %add3A_98 : i32
      %dma_wait3A_100 = arith.constant 0 : i32
      %dma_wait3A_101 = tpu.memref_slice %arg7[%add3A_99, %dma_wait3A_100] : memref<160x128xi32, #tpu.memory_space<vmem>> -> memref<1x128xi32, #tpu.memory_space<vmem>>
      %dma_wait3A_102 = tpu.memref_squeeze %dma_wait3A_101 : memref<1x128xi32, #tpu.memory_space<vmem>> -> memref<128xi32, #tpu.memory_space<vmem>>
      %dma_wait3A_103 = arith.constant 0 : i32
      %dma_wait3A_104 = arith.constant 0 : i32
      %dma_wait3A_105 = tpu.memref_slice %arg2[%dma_wait3A_103, %dma_wait3A_104] : memref<20224x64xf32, #tpu.memory_space<hbm>> -> memref<20224x64xf32, #tpu.memory_space<hbm>>
      tpu.wait_indirect_dma semaphore(%arg15 : memref<!tpu.dma_semaphore, #tpu.memory_space<semaphore_mem>>) src(%dma_wait3A_105 : memref<20224x64xf32, #tpu.memory_space<hbm>>) dst(%arg11 : memref<128x64xf32, #tpu.memory_space<vmem>>)
      %dma_start3A_106 = arith.constant 0 : i32
      %dma_start3A_107 = tpu.memref_slice %arg8[%add3A_99, %dma_start3A_106] : memref<160x128xi32, #tpu.memory_space<vmem>> -> memref<1x128xi32, #tpu.memory_space<vmem>>
      %dma_start3A_108 = tpu.memref_squeeze %dma_start3A_107 : memref<1x128xi32, #tpu.memory_space<vmem>> -> memref<128xi32, #tpu.memory_space<vmem>>
      %dma_start3A_109 = arith.constant 0 : i32
      %dma_start3A_110 = arith.constant 0 : i32
      %dma_start3A_111 = tpu.memref_slice %arg14[%dma_start3A_109, %dma_start3A_110] : memref<10112x64xf32, #tpu.memory_space<vmem_shared>> -> memref<10112x64xf32, #tpu.memory_space<vmem_shared>>
      tpu.enqueue_indirect_dma source(%arg11 : memref<128x64xf32, #tpu.memory_space<vmem>>) target(%dma_start3A_111 : memref<10112x64xf32, #tpu.memory_space<vmem_shared>>) offsets(%dma_start3A_108 : memref<128xi32, #tpu.memory_space<vmem>>) semaphore(%arg16 : memref<!tpu.dma_semaphore, #tpu.memory_space<semaphore_mem>>) {add = true}
      %ge3A_112 = arith.constant 2 : i32
      %ge3A_113 = arith.cmpi sge, %add3A_99, %ge3A_112 : i32
      %convert_element_type3A_114 = arith.extui %ge3A_113 : i1 to i32
      %cond3A_115 = arith.constant 0 : i32
      %cond3A_116 = arith.cmpi ne, %convert_element_type3A_114, %cond3A_115 : i32
      scf.if %cond3A_116 {
        %sub3A = arith.constant 2 : i32
        %sub3A_176 = arith.subi %add3A_99, %sub3A : i32
        %dma_wait3A_177 = arith.constant 0 : i32
        %dma_wait3A_178 = tpu.memref_slice %arg8[%sub3A_176, %dma_wait3A_177] : memref<160x128xi32, #tpu.memory_space<vmem>> -> memref<1x128xi32, #tpu.memory_space<vmem>>
        %dma_wait3A_179 = tpu.memref_squeeze %dma_wait3A_178 : memref<1x128xi32, #tpu.memory_space<vmem>> -> memref<128xi32, #tpu.memory_space<vmem>>
        %dma_wait3A_180 = arith.constant 0 : i32
        %dma_wait3A_181 = arith.constant 0 : i32
        %dma_wait3A_182 = tpu.memref_slice %arg14[%dma_wait3A_180, %dma_wait3A_181] : memref<10112x64xf32, #tpu.memory_space<vmem_shared>> -> memref<10112x64xf32, #tpu.memory_space<vmem_shared>>
        tpu.wait_indirect_dma semaphore(%arg16 : memref<!tpu.dma_semaphore, #tpu.memory_space<semaphore_mem>>) src(%arg9 : memref<128x64xf32, #tpu.memory_space<vmem>>) dst(%dma_wait3A_182 : memref<10112x64xf32, #tpu.memory_space<vmem_shared>>)
      } else {
      }
      %add3A_117 = arith.constant 3 : i32
      %add3A_118 = arith.addi %add3A_99, %add3A_117 : i32
      %lt3A_119 = arith.constant 160 : i32
      %lt3A_120 = arith.cmpi slt, %add3A_118, %lt3A_119 : i32
      %convert_element_type3A_121 = arith.extui %lt3A_120 : i1 to i32
      %cond3A_122 = arith.constant 0 : i32
      %cond3A_123 = arith.cmpi ne, %convert_element_type3A_121, %cond3A_122 : i32
      scf.if %cond3A_123 {
        %add3A_176 = arith.constant 3 : i32
        %add3A_177 = arith.addi %add3A_99, %add3A_176 : i32
        %dma_start3A_178 = arith.constant 0 : i32
        %dma_start3A_179 = tpu.memref_slice %arg7[%add3A_177, %dma_start3A_178] : memref<160x128xi32, #tpu.memory_space<vmem>> -> memref<1x128xi32, #tpu.memory_space<vmem>>
        %dma_start3A_180 = tpu.memref_squeeze %dma_start3A_179 : memref<1x128xi32, #tpu.memory_space<vmem>> -> memref<128xi32, #tpu.memory_space<vmem>>
        %dma_start3A_181 = arith.constant 0 : i32
        %dma_start3A_182 = arith.constant 0 : i32
        %dma_start3A_183 = tpu.memref_slice %arg2[%dma_start3A_181, %dma_start3A_182] : memref<20224x64xf32, #tpu.memory_space<hbm>> -> memref<20224x64xf32, #tpu.memory_space<hbm>>
        tpu.enqueue_indirect_dma source(%dma_start3A_183 : memref<20224x64xf32, #tpu.memory_space<hbm>>) target(%arg9 : memref<128x64xf32, #tpu.memory_space<vmem>>) offsets(%dma_start3A_180 : memref<128xi32, #tpu.memory_space<vmem>>) semaphore(%arg15 : memref<!tpu.dma_semaphore, #tpu.memory_space<semaphore_mem>>)
      } else {
      }
      %add3A_124 = arith.constant 3 : i32
      %add3A_125 = arith.addi %mul3A_50, %add3A_124 : i32
      %dma_wait3A_126 = arith.constant 0 : i32
      %dma_wait3A_127 = tpu.memref_slice %arg7[%add3A_125, %dma_wait3A_126] : memref<160x128xi32, #tpu.memory_space<vmem>> -> memref<1x128xi32, #tpu.memory_space<vmem>>
      %dma_wait3A_128 = tpu.memref_squeeze %dma_wait3A_127 : memref<1x128xi32, #tpu.memory_space<vmem>> -> memref<128xi32, #tpu.memory_space<vmem>>
      %dma_wait3A_129 = arith.constant 0 : i32
      %dma_wait3A_130 = arith.constant 0 : i32
      %dma_wait3A_131 = tpu.memref_slice %arg2[%dma_wait3A_129, %dma_wait3A_130] : memref<20224x64xf32, #tpu.memory_space<hbm>> -> memref<20224x64xf32, #tpu.memory_space<hbm>>
      tpu.wait_indirect_dma semaphore(%arg15 : memref<!tpu.dma_semaphore, #tpu.memory_space<semaphore_mem>>) src(%dma_wait3A_131 : memref<20224x64xf32, #tpu.memory_space<hbm>>) dst(%arg12 : memref<128x64xf32, #tpu.memory_space<vmem>>)
      %dma_start3A_132 = arith.constant 0 : i32
      %dma_start3A_133 = tpu.memref_slice %arg8[%add3A_125, %dma_start3A_132] : memref<160x128xi32, #tpu.memory_space<vmem>> -> memref<1x128xi32, #tpu.memory_space<vmem>>
      %dma_start3A_134 = tpu.memref_squeeze %dma_start3A_133 : memref<1x128xi32, #tpu.memory_space<vmem>> -> memref<128xi32, #tpu.memory_space<vmem>>
      %dma_start3A_135 = arith.constant 0 : i32
      %dma_start3A_136 = arith.constant 0 : i32
      %dma_start3A_137 = tpu.memref_slice %arg14[%dma_start3A_135, %dma_start3A_136] : memref<10112x64xf32, #tpu.memory_space<vmem_shared>> -> memref<10112x64xf32, #tpu.memory_space<vmem_shared>>
      tpu.enqueue_indirect_dma source(%arg12 : memref<128x64xf32, #tpu.memory_space<vmem>>) target(%dma_start3A_137 : memref<10112x64xf32, #tpu.memory_space<vmem_shared>>) offsets(%dma_start3A_134 : memref<128xi32, #tpu.memory_space<vmem>>) semaphore(%arg16 : memref<!tpu.dma_semaphore, #tpu.memory_space<semaphore_mem>>) {add = true}
      %ge3A_138 = arith.constant 2 : i32
      %ge3A_139 = arith.cmpi sge, %add3A_125, %ge3A_138 : i32
      %convert_element_type3A_140 = arith.extui %ge3A_139 : i1 to i32
      %cond3A_141 = arith.constant 0 : i32
      %cond3A_142 = arith.cmpi ne, %convert_element_type3A_140, %cond3A_141 : i32
      scf.if %cond3A_142 {
        %sub3A = arith.constant 2 : i32
        %sub3A_176 = arith.subi %add3A_125, %sub3A : i32
        %dma_wait3A_177 = arith.constant 0 : i32
        %dma_wait3A_178 = tpu.memref_slice %arg8[%sub3A_176, %dma_wait3A_177] : memref<160x128xi32, #tpu.memory_space<vmem>> -> memref<1x128xi32, #tpu.memory_space<vmem>>
        %dma_wait3A_179 = tpu.memref_squeeze %dma_wait3A_178 : memref<1x128xi32, #tpu.memory_space<vmem>> -> memref<128xi32, #tpu.memory_space<vmem>>
        %dma_wait3A_180 = arith.constant 0 : i32
        %dma_wait3A_181 = arith.constant 0 : i32
        %dma_wait3A_182 = tpu.memref_slice %arg14[%dma_wait3A_180, %dma_wait3A_181] : memref<10112x64xf32, #tpu.memory_space<vmem_shared>> -> memref<10112x64xf32, #tpu.memory_space<vmem_shared>>
        tpu.wait_indirect_dma semaphore(%arg16 : memref<!tpu.dma_semaphore, #tpu.memory_space<semaphore_mem>>) src(%arg10 : memref<128x64xf32, #tpu.memory_space<vmem>>) dst(%dma_wait3A_182 : memref<10112x64xf32, #tpu.memory_space<vmem_shared>>)
      } else {
      }
      %add3A_143 = arith.constant 3 : i32
      %add3A_144 = arith.addi %add3A_125, %add3A_143 : i32
      %lt3A_145 = arith.constant 160 : i32
      %lt3A_146 = arith.cmpi slt, %add3A_144, %lt3A_145 : i32
      %convert_element_type3A_147 = arith.extui %lt3A_146 : i1 to i32
      %cond3A_148 = arith.constant 0 : i32
      %cond3A_149 = arith.cmpi ne, %convert_element_type3A_147, %cond3A_148 : i32
      scf.if %cond3A_149 {
        %add3A_176 = arith.constant 3 : i32
        %add3A_177 = arith.addi %add3A_125, %add3A_176 : i32
        %dma_start3A_178 = arith.constant 0 : i32
        %dma_start3A_179 = tpu.memref_slice %arg7[%add3A_177, %dma_start3A_178] : memref<160x128xi32, #tpu.memory_space<vmem>> -> memref<1x128xi32, #tpu.memory_space<vmem>>
        %dma_start3A_180 = tpu.memref_squeeze %dma_start3A_179 : memref<1x128xi32, #tpu.memory_space<vmem>> -> memref<128xi32, #tpu.memory_space<vmem>>
        %dma_start3A_181 = arith.constant 0 : i32
        %dma_start3A_182 = arith.constant 0 : i32
        %dma_start3A_183 = tpu.memref_slice %arg2[%dma_start3A_181, %dma_start3A_182] : memref<20224x64xf32, #tpu.memory_space<hbm>> -> memref<20224x64xf32, #tpu.memory_space<hbm>>
        tpu.enqueue_indirect_dma source(%dma_start3A_183 : memref<20224x64xf32, #tpu.memory_space<hbm>>) target(%arg10 : memref<128x64xf32, #tpu.memory_space<vmem>>) offsets(%dma_start3A_180 : memref<128xi32, #tpu.memory_space<vmem>>) semaphore(%arg15 : memref<!tpu.dma_semaphore, #tpu.memory_space<semaphore_mem>>)
      } else {
      }
      %add3A_150 = arith.constant 4 : i32
      %add3A_151 = arith.addi %mul3A_50, %add3A_150 : i32
      %dma_wait3A_152 = arith.constant 0 : i32
      %dma_wait3A_153 = tpu.memref_slice %arg7[%add3A_151, %dma_wait3A_152] : memref<160x128xi32, #tpu.memory_space<vmem>> -> memref<1x128xi32, #tpu.memory_space<vmem>>
      %dma_wait3A_154 = tpu.memref_squeeze %dma_wait3A_153 : memref<1x128xi32, #tpu.memory_space<vmem>> -> memref<128xi32, #tpu.memory_space<vmem>>
      %dma_wait3A_155 = arith.constant 0 : i32
      %dma_wait3A_156 = arith.constant 0 : i32
      %dma_wait3A_157 = tpu.memref_slice %arg2[%dma_wait3A_155, %dma_wait3A_156] : memref<20224x64xf32, #tpu.memory_space<hbm>> -> memref<20224x64xf32, #tpu.memory_space<hbm>>
      tpu.wait_indirect_dma semaphore(%arg15 : memref<!tpu.dma_semaphore, #tpu.memory_space<semaphore_mem>>) src(%dma_wait3A_157 : memref<20224x64xf32, #tpu.memory_space<hbm>>) dst(%arg13 : memref<128x64xf32, #tpu.memory_space<vmem>>)
      %dma_start3A_158 = arith.constant 0 : i32
      %dma_start3A_159 = tpu.memref_slice %arg8[%add3A_151, %dma_start3A_158] : memref<160x128xi32, #tpu.memory_space<vmem>> -> memref<1x128xi32, #tpu.memory_space<vmem>>
      %dma_start3A_160 = tpu.memref_squeeze %dma_start3A_159 : memref<1x128xi32, #tpu.memory_space<vmem>> -> memref<128xi32, #tpu.memory_space<vmem>>
      %dma_start3A_161 = arith.constant 0 : i32
      %dma_start3A_162 = arith.constant 0 : i32
      %dma_start3A_163 = tpu.memref_slice %arg14[%dma_start3A_161, %dma_start3A_162] : memref<10112x64xf32, #tpu.memory_space<vmem_shared>> -> memref<10112x64xf32, #tpu.memory_space<vmem_shared>>
      tpu.enqueue_indirect_dma source(%arg13 : memref<128x64xf32, #tpu.memory_space<vmem>>) target(%dma_start3A_163 : memref<10112x64xf32, #tpu.memory_space<vmem_shared>>) offsets(%dma_start3A_160 : memref<128xi32, #tpu.memory_space<vmem>>) semaphore(%arg16 : memref<!tpu.dma_semaphore, #tpu.memory_space<semaphore_mem>>) {add = true}
      %ge3A_164 = arith.constant 2 : i32
      %ge3A_165 = arith.cmpi sge, %add3A_151, %ge3A_164 : i32
      %convert_element_type3A_166 = arith.extui %ge3A_165 : i1 to i32
      %cond3A_167 = arith.constant 0 : i32
      %cond3A_168 = arith.cmpi ne, %convert_element_type3A_166, %cond3A_167 : i32
      scf.if %cond3A_168 {
        %sub3A = arith.constant 2 : i32
        %sub3A_176 = arith.subi %add3A_151, %sub3A : i32
        %dma_wait3A_177 = arith.constant 0 : i32
        %dma_wait3A_178 = tpu.memref_slice %arg8[%sub3A_176, %dma_wait3A_177] : memref<160x128xi32, #tpu.memory_space<vmem>> -> memref<1x128xi32, #tpu.memory_space<vmem>>
        %dma_wait3A_179 = tpu.memref_squeeze %dma_wait3A_178 : memref<1x128xi32, #tpu.memory_space<vmem>> -> memref<128xi32, #tpu.memory_space<vmem>>
        %dma_wait3A_180 = arith.constant 0 : i32
        %dma_wait3A_181 = arith.constant 0 : i32
        %dma_wait3A_182 = tpu.memref_slice %arg14[%dma_wait3A_180, %dma_wait3A_181] : memref<10112x64xf32, #tpu.memory_space<vmem_shared>> -> memref<10112x64xf32, #tpu.memory_space<vmem_shared>>
        tpu.wait_indirect_dma semaphore(%arg16 : memref<!tpu.dma_semaphore, #tpu.memory_space<semaphore_mem>>) src(%arg11 : memref<128x64xf32, #tpu.memory_space<vmem>>) dst(%dma_wait3A_182 : memref<10112x64xf32, #tpu.memory_space<vmem_shared>>)
      } else {
      }
      %add3A_169 = arith.constant 3 : i32
      %add3A_170 = arith.addi %add3A_151, %add3A_169 : i32
      %lt3A_171 = arith.constant 160 : i32
      %lt3A_172 = arith.cmpi slt, %add3A_170, %lt3A_171 : i32
      %convert_element_type3A_173 = arith.extui %lt3A_172 : i1 to i32
      %cond3A_174 = arith.constant 0 : i32
      %cond3A_175 = arith.cmpi ne, %convert_element_type3A_173, %cond3A_174 : i32
      scf.if %cond3A_175 {
        %add3A_176 = arith.constant 3 : i32
        %add3A_177 = arith.addi %add3A_151, %add3A_176 : i32
        %dma_start3A_178 = arith.constant 0 : i32
        %dma_start3A_179 = tpu.memref_slice %arg7[%add3A_177, %dma_start3A_178] : memref<160x128xi32, #tpu.memory_space<vmem>> -> memref<1x128xi32, #tpu.memory_space<vmem>>
        %dma_start3A_180 = tpu.memref_squeeze %dma_start3A_179 : memref<1x128xi32, #tpu.memory_space<vmem>> -> memref<128xi32, #tpu.memory_space<vmem>>
        %dma_start3A_181 = arith.constant 0 : i32
        %dma_start3A_182 = arith.constant 0 : i32
        %dma_start3A_183 = tpu.memref_slice %arg2[%dma_start3A_181, %dma_start3A_182] : memref<20224x64xf32, #tpu.memory_space<hbm>> -> memref<20224x64xf32, #tpu.memory_space<hbm>>
        tpu.enqueue_indirect_dma source(%dma_start3A_183 : memref<20224x64xf32, #tpu.memory_space<hbm>>) target(%arg11 : memref<128x64xf32, #tpu.memory_space<vmem>>) offsets(%dma_start3A_180 : memref<128xi32, #tpu.memory_space<vmem>>) semaphore(%arg15 : memref<!tpu.dma_semaphore, #tpu.memory_space<semaphore_mem>>)
      } else {
      }
    }
    %scan3A_29 = arith.constant 32 : i32
    %dma_wait3A = arith.constant 158 : i32
    %dma_wait3A_30 = arith.constant 0 : i32
    %dma_wait3A_31 = tpu.memref_slice %arg8[%dma_wait3A, %dma_wait3A_30] : memref<160x128xi32, #tpu.memory_space<vmem>> -> memref<1x128xi32, #tpu.memory_space<vmem>>
    %dma_wait3A_32 = tpu.memref_squeeze %dma_wait3A_31 : memref<1x128xi32, #tpu.memory_space<vmem>> -> memref<128xi32, #tpu.memory_space<vmem>>
    %dma_wait3A_33 = arith.constant 0 : i32
    %dma_wait3A_34 = arith.constant 0 : i32
    %dma_wait3A_35 = tpu.memref_slice %arg14[%dma_wait3A_33, %dma_wait3A_34] : memref<10112x64xf32, #tpu.memory_space<vmem_shared>> -> memref<10112x64xf32, #tpu.memory_space<vmem_shared>>
    tpu.wait_indirect_dma semaphore(%arg16 : memref<!tpu.dma_semaphore, #tpu.memory_space<semaphore_mem>>) src(%arg12 : memref<128x64xf32, #tpu.memory_space<vmem>>) dst(%dma_wait3A_35 : memref<10112x64xf32, #tpu.memory_space<vmem_shared>>)
    %dma_wait3A_36 = arith.constant 159 : i32
    %dma_wait3A_37 = arith.constant 0 : i32
    %dma_wait3A_38 = tpu.memref_slice %arg8[%dma_wait3A_36, %dma_wait3A_37] : memref<160x128xi32, #tpu.memory_space<vmem>> -> memref<1x128xi32, #tpu.memory_space<vmem>>
    %dma_wait3A_39 = tpu.memref_squeeze %dma_wait3A_38 : memref<1x128xi32, #tpu.memory_space<vmem>> -> memref<128xi32, #tpu.memory_space<vmem>>
    %dma_wait3A_40 = arith.constant 0 : i32
    %dma_wait3A_41 = arith.constant 0 : i32
    %dma_wait3A_42 = tpu.memref_slice %arg14[%dma_wait3A_40, %dma_wait3A_41] : memref<10112x64xf32, #tpu.memory_space<vmem_shared>> -> memref<10112x64xf32, #tpu.memory_space<vmem_shared>>
    tpu.wait_indirect_dma semaphore(%arg16 : memref<!tpu.dma_semaphore, #tpu.memory_space<semaphore_mem>>) src(%arg13 : memref<128x64xf32, #tpu.memory_space<vmem>>) dst(%dma_wait3A_42 : memref<10112x64xf32, #tpu.memory_space<vmem_shared>>)
    %barrier3A_43 = arith.constant 0 : index
    tpu.barrier barrier_id(%barrier3A_43)
    %mul3A_44 = arith.constant 632 : i32
    %mul3A_45 = arith.muli %arg1, %mul3A_44 : i32
    %mul3A_46 = arith.constant 632 : i32
    %mul3A_47 = arith.muli %arg1, %mul3A_46 : i32
    "tpu.region"() ({
      %run_scoped3A = tpu.sem_alloc : memref<!tpu.dma_semaphore, #tpu.memory_space<semaphore_mem>>
      %dma_start3A_48 = arith.constant 0 : i32
      %dma_start3A_49 = tpu.memref_slice %arg6[%arg0, %mul3A_47, %dma_start3A_48] : memref<2x10112x64xf32, #tpu.memory_space<hbm>> -> memref<1x632x64xf32, #tpu.memory_space<hbm>>
      %dma_start3A_50 = tpu.memref_squeeze %dma_start3A_49 : memref<1x632x64xf32, #tpu.memory_space<hbm>> -> memref<632x64xf32, #tpu.memory_space<hbm>>
      %dma_start3A_51 = arith.constant 0 : i32
      %dma_start3A_52 = tpu.memref_slice %arg14[%mul3A_45, %dma_start3A_51] : memref<10112x64xf32, #tpu.memory_space<vmem_shared>> -> memref<632x64xf32, #tpu.memory_space<vmem_shared>>
      tpu.enqueue_dma source(%dma_start3A_52 : memref<632x64xf32, #tpu.memory_space<vmem_shared>>) target(%dma_start3A_50 : memref<632x64xf32, #tpu.memory_space<hbm>>) target_semaphore(%run_scoped3A : memref<!tpu.dma_semaphore, #tpu.memory_space<semaphore_mem>>)
      %dma_wait3A_53 = arith.constant 0 : i32
      %dma_wait3A_54 = tpu.memref_slice %arg6[%arg0, %mul3A_47, %dma_wait3A_53] : memref<2x10112x64xf32, #tpu.memory_space<hbm>> -> memref<1x632x64xf32, #tpu.memory_space<hbm>>
      %dma_wait3A_55 = tpu.memref_squeeze %dma_wait3A_54 : memref<1x632x64xf32, #tpu.memory_space<hbm>> -> memref<632x64xf32, #tpu.memory_space<hbm>>
      %dma_wait3A_56 = arith.constant 0 : i32
      %dma_wait3A_57 = tpu.memref_slice %arg14[%mul3A_45, %dma_wait3A_56] : memref<10112x64xf32, #tpu.memory_space<vmem_shared>> -> memref<632x64xf32, #tpu.memory_space<vmem_shared>>
      tpu.wait_dma2 semaphore(%run_scoped3A : memref<!tpu.dma_semaphore, #tpu.memory_space<semaphore_mem>>) src(%dma_wait3A_57 : memref<632x64xf32, #tpu.memory_space<vmem_shared>>) dst(%dma_wait3A_55 : memref<632x64xf32, #tpu.memory_space<hbm>>)
      tpu.yield
    }) : () -> ()
    return
  }
}

module attributes {stable_mosaic.version = 14 : i64} {
  func.func @_dense_body(%arg0: memref<10000x128xf32, #tpu.memory_space<vmem>>, %arg1: memref<2x10112x64xf32, #tpu.memory_space<vmem>>, %arg2: memref<128x128xf32, #tpu.memory_space<vmem>>, %arg3: memref<1x128xf32, #tpu.memory_space<vmem>>, %arg4: memref<1x128xf32, #tpu.memory_space<vmem>>, %arg5: memref<128x128xf32, #tpu.memory_space<vmem>>, %arg6: memref<1x128xf32, #tpu.memory_space<vmem>>, %arg7: memref<1x128xf32, #tpu.memory_space<vmem>>, %arg8: memref<1x128xf32, #tpu.memory_space<vmem>>, %arg9: memref<1x128xf32, #tpu.memory_space<vmem>>, %arg10: memref<1x128xf32, #tpu.memory_space<vmem>>, %arg11: memref<10000x128xf32, #tpu.memory_space<vmem>>) attributes {dimension_semantics = [], scalar_prefetch = 0 : i64, scratch_operands = 0 : i64, tpu.core_type = #tpu.core_type<tc>} {
    %get3A = arith.constant 0 : index
    %get3A_0 = arith.constant 0 : index
    %get3A_1 = arith.constant 0 : index
    %get3A_2 = vector.load %arg1[%get3A, %get3A_0, %get3A_1] : memref<2x10112x64xf32, #tpu.memory_space<vmem>>, vector<1x10000x64xf32>
    %get3A_3 = vector.shape_cast %get3A_2 : vector<1x10000x64xf32> to vector<10000x64xf32>
    %get3A_4 = arith.constant 1 : index
    %get3A_5 = arith.constant 0 : index
    %get3A_6 = arith.constant 0 : index
    %get3A_7 = vector.load %arg1[%get3A_4, %get3A_5, %get3A_6] : memref<2x10112x64xf32, #tpu.memory_space<vmem>>, vector<1x10000x64xf32>
    %get3A_8 = vector.shape_cast %get3A_7 : vector<1x10000x64xf32> to vector<10000x64xf32>
    %concatenate3A = tpu.concatenate %get3A_3, %get3A_8 in 1 : vector<10000x64xf32>, vector<10000x64xf32> -> vector<10000x128xf32>
    %get3A_9 = arith.constant 0 : index
    %get3A_10 = arith.constant 0 : index
    %get3A_11 = vector.load %arg0[%get3A_9, %get3A_10] : memref<10000x128xf32, #tpu.memory_space<vmem>>, vector<10000x128xf32>
    %add3A = arith.addf %get3A_11, %concatenate3A : vector<10000x128xf32>
    %get3A_12 = arith.constant 0 : index
    %get3A_13 = arith.constant 0 : index
    %get3A_14 = vector.load %arg2[%get3A_12, %get3A_13] : memref<128x128xf32, #tpu.memory_space<vmem>>, vector<128x128xf32>
    %dot_general3A = arith.constant dense<0.000000e+00> : vector<10000x128xf32>
    %dot_general3A_15 = tpu.matmul %add3A, %get3A_14, %dot_general3A {dimension_numbers = #tpu.dot_dimension_numbers<[1], [0], [0], [1], [0, 0, 1, 1], [], []>, transpose_lhs_hint = false} : vector<10000x128xf32>, vector<128x128xf32>, vector<10000x128xf32> -> vector<10000x128xf32>
    %get3A_16 = arith.constant 0 : index
    %get3A_17 = arith.constant 0 : index
    %get3A_18 = vector.load %arg3[%get3A_16, %get3A_17] : memref<1x128xf32, #tpu.memory_space<vmem>>, vector<1x128xf32>
    %get3A_19 = arith.constant 0 : index
    %get3A_20 = arith.constant 0 : index
    %get3A_21 = vector.load %arg4[%get3A_19, %get3A_20] : memref<1x128xf32, #tpu.memory_space<vmem>>, vector<1x128xf32>
    %reduce_sum3A = arith.constant dense<0.000000e+00> : vector<10000xf32>
    %reduce_sum3A_22 = vector.multi_reduction <add>, %dot_general3A_15, %reduce_sum3A [1] : vector<10000x128xf32> to vector<10000xf32>
    %broadcast_in_dim3A = vector.shape_cast %reduce_sum3A_22 : vector<10000xf32> to vector<10000x1xf32>
    %div3A = arith.constant 1.280000e+02 : f32
    %div3A_23 = vector.broadcast %div3A : f32 to vector<10000x1xf32>
    %div3A_24 = arith.divf %broadcast_in_dim3A, %div3A_23 : vector<10000x1xf32>
    %sub3A = vector.broadcast %div3A_24 : vector<10000x1xf32> to vector<10000x128xf32>
    %sub3A_25 = arith.subf %dot_general3A_15, %sub3A : vector<10000x128xf32>
    %mul3A = arith.mulf %sub3A_25, %sub3A_25 : vector<10000x128xf32>
    %reduce_sum3A_26 = arith.constant dense<0.000000e+00> : vector<10000xf32>
    %reduce_sum3A_27 = vector.multi_reduction <add>, %mul3A, %reduce_sum3A_26 [1] : vector<10000x128xf32> to vector<10000xf32>
    %broadcast_in_dim3A_28 = vector.shape_cast %reduce_sum3A_27 : vector<10000xf32> to vector<10000x1xf32>
    %div3A_29 = arith.constant 1.280000e+02 : f32
    %div3A_30 = vector.broadcast %div3A_29 : f32 to vector<10000x1xf32>
    %div3A_31 = arith.divf %broadcast_in_dim3A_28, %div3A_30 : vector<10000x1xf32>
    %add3A_32 = arith.constant 9.99999974E-6 : f32
    %add3A_33 = vector.broadcast %add3A_32 : f32 to vector<10000x1xf32>
    %add3A_34 = arith.addf %div3A_31, %add3A_33 : vector<10000x1xf32>
    %rsqrt3A = math.rsqrt %add3A_34 : vector<10000x1xf32>
    %mul3A_35 = vector.broadcast %rsqrt3A : vector<10000x1xf32> to vector<10000x128xf32>
    %mul3A_36 = arith.mulf %sub3A_25, %mul3A_35 : vector<10000x128xf32>
    %mul3A_37 = vector.broadcast %get3A_18 : vector<1x128xf32> to vector<10000x128xf32>
    %mul3A_38 = arith.mulf %mul3A_36, %mul3A_37 : vector<10000x128xf32>
    %add3A_39 = vector.broadcast %get3A_21 : vector<1x128xf32> to vector<10000x128xf32>
    %add3A_40 = arith.addf %mul3A_38, %add3A_39 : vector<10000x128xf32>
    %max3A = arith.constant 0.000000e+00 : f32
    %max3A_41 = vector.broadcast %max3A : f32 to vector<10000x128xf32>
    %max3A_42 = arith.maximumf %add3A_40, %max3A_41 : vector<10000x128xf32>
    %get3A_43 = arith.constant 0 : index
    %get3A_44 = arith.constant 0 : index
    %get3A_45 = vector.load %arg5[%get3A_43, %get3A_44] : memref<128x128xf32, #tpu.memory_space<vmem>>, vector<128x128xf32>
    %dot_general3A_46 = arith.constant dense<0.000000e+00> : vector<10000x128xf32>
    %dot_general3A_47 = tpu.matmul %max3A_42, %get3A_45, %dot_general3A_46 {dimension_numbers = #tpu.dot_dimension_numbers<[1], [0], [0], [1], [0, 0, 1, 1], [], []>, transpose_lhs_hint = false} : vector<10000x128xf32>, vector<128x128xf32>, vector<10000x128xf32> -> vector<10000x128xf32>
    %get3A_48 = arith.constant 0 : index
    %get3A_49 = arith.constant 0 : index
    %get3A_50 = vector.load %arg6[%get3A_48, %get3A_49] : memref<1x128xf32, #tpu.memory_space<vmem>>, vector<1x128xf32>
    %get3A_51 = arith.constant 0 : index
    %get3A_52 = arith.constant 0 : index
    %get3A_53 = vector.load %arg7[%get3A_51, %get3A_52] : memref<1x128xf32, #tpu.memory_space<vmem>>, vector<1x128xf32>
    %reduce_sum3A_54 = arith.constant dense<0.000000e+00> : vector<10000xf32>
    %reduce_sum3A_55 = vector.multi_reduction <add>, %dot_general3A_47, %reduce_sum3A_54 [1] : vector<10000x128xf32> to vector<10000xf32>
    %broadcast_in_dim3A_56 = vector.shape_cast %reduce_sum3A_55 : vector<10000xf32> to vector<10000x1xf32>
    %div3A_57 = arith.constant 1.280000e+02 : f32
    %div3A_58 = vector.broadcast %div3A_57 : f32 to vector<10000x1xf32>
    %div3A_59 = arith.divf %broadcast_in_dim3A_56, %div3A_58 : vector<10000x1xf32>
    %sub3A_60 = vector.broadcast %div3A_59 : vector<10000x1xf32> to vector<10000x128xf32>
    %sub3A_61 = arith.subf %dot_general3A_47, %sub3A_60 : vector<10000x128xf32>
    %mul3A_62 = arith.mulf %sub3A_61, %sub3A_61 : vector<10000x128xf32>
    %reduce_sum3A_63 = arith.constant dense<0.000000e+00> : vector<10000xf32>
    %reduce_sum3A_64 = vector.multi_reduction <add>, %mul3A_62, %reduce_sum3A_63 [1] : vector<10000x128xf32> to vector<10000xf32>
    %broadcast_in_dim3A_65 = vector.shape_cast %reduce_sum3A_64 : vector<10000xf32> to vector<10000x1xf32>
    %div3A_66 = arith.constant 1.280000e+02 : f32
    %div3A_67 = vector.broadcast %div3A_66 : f32 to vector<10000x1xf32>
    %div3A_68 = arith.divf %broadcast_in_dim3A_65, %div3A_67 : vector<10000x1xf32>
    %add3A_69 = arith.constant 9.99999974E-6 : f32
    %add3A_70 = vector.broadcast %add3A_69 : f32 to vector<10000x1xf32>
    %add3A_71 = arith.addf %div3A_68, %add3A_70 : vector<10000x1xf32>
    %rsqrt3A_72 = math.rsqrt %add3A_71 : vector<10000x1xf32>
    %mul3A_73 = vector.broadcast %rsqrt3A_72 : vector<10000x1xf32> to vector<10000x128xf32>
    %mul3A_74 = arith.mulf %sub3A_61, %mul3A_73 : vector<10000x128xf32>
    %mul3A_75 = vector.broadcast %get3A_50 : vector<1x128xf32> to vector<10000x128xf32>
    %mul3A_76 = arith.mulf %mul3A_74, %mul3A_75 : vector<10000x128xf32>
    %add3A_77 = vector.broadcast %get3A_53 : vector<1x128xf32> to vector<10000x128xf32>
    %add3A_78 = arith.addf %mul3A_76, %add3A_77 : vector<10000x128xf32>
    %max3A_79 = arith.constant 0.000000e+00 : f32
    %max3A_80 = vector.broadcast %max3A_79 : f32 to vector<10000x128xf32>
    %max3A_81 = arith.maximumf %add3A_78, %max3A_80 : vector<10000x128xf32>
    %reduce_sum3A_82 = arith.constant dense<0.000000e+00> : vector<128xf32>
    %reduce_sum3A_83 = vector.multi_reduction <add>, %max3A_81, %reduce_sum3A_82 [0] : vector<10000x128xf32> to vector<128xf32>
    %broadcast_in_dim3A_84 = vector.shape_cast %reduce_sum3A_83 : vector<128xf32> to vector<1x128xf32>
    %div3A_85 = arith.constant 1.000000e+04 : f32
    %div3A_86 = vector.broadcast %div3A_85 : f32 to vector<1x128xf32>
    %div3A_87 = arith.divf %broadcast_in_dim3A_84, %div3A_86 : vector<1x128xf32>
    %get3A_88 = arith.constant 0 : index
    %get3A_89 = arith.constant 0 : index
    %get3A_90 = vector.load %arg10[%get3A_88, %get3A_89] : memref<1x128xf32, #tpu.memory_space<vmem>>, vector<1x128xf32>
    %mul3A_91 = arith.mulf %get3A_90, %div3A_87 : vector<1x128xf32>
    %sub3A_92 = vector.broadcast %mul3A_91 : vector<1x128xf32> to vector<10000x128xf32>
    %sub3A_93 = arith.subf %max3A_81, %sub3A_92 : vector<10000x128xf32>
    %mul3A_94 = arith.mulf %sub3A_93, %sub3A_93 : vector<10000x128xf32>
    %reduce_sum3A_95 = arith.constant dense<0.000000e+00> : vector<128xf32>
    %reduce_sum3A_96 = vector.multi_reduction <add>, %mul3A_94, %reduce_sum3A_95 [0] : vector<10000x128xf32> to vector<128xf32>
    %broadcast_in_dim3A_97 = vector.shape_cast %reduce_sum3A_96 : vector<128xf32> to vector<1x128xf32>
    %div3A_98 = arith.constant 1.000000e+04 : f32
    %div3A_99 = vector.broadcast %div3A_98 : f32 to vector<1x128xf32>
    %div3A_100 = arith.divf %broadcast_in_dim3A_97, %div3A_99 : vector<1x128xf32>
    %add3A_101 = arith.constant 9.99999974E-6 : f32
    %add3A_102 = vector.broadcast %add3A_101 : f32 to vector<1x128xf32>
    %add3A_103 = arith.addf %div3A_100, %add3A_102 : vector<1x128xf32>
    %rsqrt3A_104 = math.rsqrt %add3A_103 : vector<1x128xf32>
    %mul3A_105 = vector.broadcast %rsqrt3A_104 : vector<1x128xf32> to vector<10000x128xf32>
    %mul3A_106 = arith.mulf %sub3A_93, %mul3A_105 : vector<10000x128xf32>
    %get3A_107 = arith.constant 0 : index
    %get3A_108 = arith.constant 0 : index
    %get3A_109 = vector.load %arg8[%get3A_107, %get3A_108] : memref<1x128xf32, #tpu.memory_space<vmem>>, vector<1x128xf32>
    %mul3A_110 = vector.broadcast %get3A_109 : vector<1x128xf32> to vector<10000x128xf32>
    %mul3A_111 = arith.mulf %mul3A_106, %mul3A_110 : vector<10000x128xf32>
    %get3A_112 = arith.constant 0 : index
    %get3A_113 = arith.constant 0 : index
    %get3A_114 = vector.load %arg9[%get3A_112, %get3A_113] : memref<1x128xf32, #tpu.memory_space<vmem>>, vector<1x128xf32>
    %add3A_115 = vector.broadcast %get3A_114 : vector<1x128xf32> to vector<10000x128xf32>
    %add3A_116 = arith.addf %mul3A_111, %add3A_115 : vector<10000x128xf32>
    %swap3A = arith.constant 0 : index
    %swap3A_117 = arith.constant 0 : index
    %swap3A_118 = vector.load %arg11[%swap3A, %swap3A_117] : memref<10000x128xf32, #tpu.memory_space<vmem>>, vector<10000x128xf32>
    tpu.vector_store %arg11[%swap3A, %swap3A_117], %add3A_116 {strides = array<i32>} : memref<10000x128xf32, #tpu.memory_space<vmem>>, vector<10000x128xf32>,
    return
  }
}

</mosaic_0001>

<sc_bundles>
// kernel: kernel.4.cloned.1.call-start
scs
__scs_entry_jumppad:
0x0: {  	(pc) =	sbr.rel $0x88, $3  }
0x1: {  	(tag) =	ssettag $0x0;
	lr =	simm.s32 $0x1  }
0x2: {  	[smem:$0x3F96] =	sst lr;
	_ =	strace $0xD0000000  }
0x3: {  	_ = 	snop  }
0x4: {  	_ = 	snop  }
0x5: {  	_ = 	snop  }
0x6: {  	_ = 	snop  }
0x7: {  	_ = 	snop  }
__scs_overlays_trampoline_lowered:
0x8: {  	[smem:$0x3FA5] =	sst s0  }
0x9: {  	[smem:$0x3FA6] =	sst s1  }
0xa: {  	[smem:$0x3FA7] =	sst s2  }
0xb: {  	[smem:$0x3FA8] =	sst s3  }
0xc: {  	[smem:$0x3FA9] =	sst s4  }
0xd: {  	[smem:$0x3FAA] =	sst s5  }
0xe: {  	[smem:$0x3FAB] =	sst s6  }
0xf: {  	[smem:$0x3FAC] =	sst s7  }
0x10: {  	[smem:$0x3FAD] =	sst s8  }
0x11: {  	[smem:$0x3FAE] =	sst s9;
	s0 =	simm.s32 @!p0 $0x0  }
0x12: {  	s1 =	sld [smem:$0x3F94];
	s0 =	simm.s32 @p0 $0x1  }
0x13: {  	[smem:$0x3FAF] =	sst s0;
	s0 =	simm.s32 @!p1 $0x0  }
0x14: {  	s2 =	sld [smem:$0x3F93];
	s0 =	simm.s32 @p1 $0x1  }
0x15: {  	[smem:$0x3FB0] =	sst s0;
	s0 =	simm.s32 @!p2 $0x0  }
0x16: {  	s3 =	sld [smem:$0x3FDB];
	s0 =	simm.s32 @p2 $0x1  }
0x17: {  	s4 =	simm.s32 $0x1BF5;
	[smem:$0x3FB2] =	sst s0  }
0x18: {  	s0 =	sld [smem:$0x3F95];
	_ =	swait.ge [sflag:s4], $0x0  }
0x19: {  	s7 =	sld [smem:$0x3F96]  }
0x1a: {  	s8 =	sadd.s32 $0xFFFFE003, lr  }
0x1b: {  	s9 =	sadd.s32 $0xFFFFFEF7, lr;
	s5 =	simm.s32 $0xFFFFFFFF;
	p2 =	slt.u32 s8, $0xFFFFF086  }
0x1c: {  	p1 =	slt.u32 s9, $0xF7A;
	s5 =	simm.s32 @!p2 $0x0  }
0x1d: {  	s5 =	simm.s32 @p1 $0x1;
	p0 =	seq.s32 s7, s2  }
0x1e: {  	s7 =	smul.u32 @!p0 $0xF7A, s2;
	p2 =	seq.s32 @!p0 s5, $0x0  }
0x1f: {  	s9 =	smul.u32 $0xF7A, s1;
	s8 =	simm.s32 @!p0 $0x1BF5;
	p2 =	por !p2, p0  }
0x20: {  	[sflag:s8] =	ssyncset.s32 @!p0 $0xFFFFF086;
	s6 =	sadd.s32 @!p0 s3, s7;
	s7 =	simm.s32 @!p0 $0x108  }
0x21: {  	s3 =	sadd.s32 s3, s9;
	s6 =	sadd.s32 @!p0 $0x88, s6;
	s7 =	simm.s32 @p2 $0x1082  }
0x22: {  	[simem:s7], [sflag:s8] =	dma.local @!p0 [hbm:s6], $0xF7A  }
0x23: {  	s9 =	sor.u32 $0xD0000000, s2;
	s6 =	simm.s32 $0x108;
	_ =	swait.ge @!p0 [sflag:s8], $0x0  }
0x24: {  	s3 =	sadd.s32 $0x88, s3;
	s6 =	simm.s32 @!p1 $0x1082;
	[sflag:s4] =	ssyncset.s32 $0xFFFFF086  }
0x25: {  	[simem:s6], [sflag:s4] =	dma.local [hbm:s3], $0xF7A  }
0x26: {  	[smem:$0x3F96] =	sst s1;
	(tag) =	ssettag s2;
	_ =	strace s9  }
0x27: {  	s1 =	sld [smem:$0x3FA6]  }
0x28: {  	s2 =	sld [smem:$0x3FA7]  }
0x29: {  	s4 =	sld [smem:$0x3FA9]  }
0x2a: {  	p0 =	seq.s32 s5, $0x0;
	s5 =	sld [smem:$0x3FAA]  }
0x2b: {  	s6 =	sld [smem:$0x3FAB]  }
0x2c: {  	s7 =	sld [smem:$0x3FAC]  }
0x2d: {  	s3 =	simm.s32 $0x108;
	s8 =	sld [smem:$0x3FAD]  }
0x2e: {  	s3 =	simm.s32 @!p0 $0x1082;
	s9 =	sld [smem:$0x3FAE]  }
0x2f: {  	lr =	sadd.s32 s0, s3;
	s0 =	sld [smem:$0x3FA5]  }
0x30: {  	s3 =	sld [smem:$0x3FA8]  }
0x31: {  	[smem:$0x3FB1] =	sst s10  }
0x32: {  	s10 =	sld [smem:$0x3FAF];
	_ =	sdelay $0x3  }
0x33: {  	p0 =	seq.s32 s10, $0x1;
	s10 =	sld [smem:$0x3FB1];
	_ =	sdelay $0x3  }
0x34: {  	[smem:$0x3FB1] =	sst s10  }
0x35: {  	s10 =	sld [smem:$0x3FB0];
	_ =	sdelay $0x3  }
0x36: {  	p1 =	seq.s32 s10, $0x1;
	s10 =	sld [smem:$0x3FB1];
	_ =	sdelay $0x3  }
0x37: {  	[smem:$0x3FB1] =	sst s10  }
0x38: {  	s10 =	sld [smem:$0x3FB2]  }
0x39: {  	_ = 	snop;
	(pc) =	sbr.ind lr, $3  }
0x3a: {  	_ = 	snop  }
0x3b: {  	_ = 	snop  }
0x3c: {  	p2 =	seq.s32 s10, $0x1;
	s10 =	sld [smem:$0x3FB1]  }
0x3d: {  	_ =	shalt  }
0x3e: {  	_ =	shalt  }
0x3f: {  	_ =	shalt  }
0x40: {  	_ =	shalt  }
0x41: {  	_ =	shalt  }
0x42: {  	_ =	shalt  }
0x43: {  	_ =	shalt  }
0x44: {  	_ =	shalt  }
0x45: {  	_ =	shalt  }
0x46: {  	_ =	shalt  }
0x47: {  	_ =	shalt  }
0x48: {  	_ =	shalt  }
0x49: {  	_ =	shalt  }
0x4a: {  	_ =	shalt  }
0x4b: {  	_ =	shalt  }
0x4c: {  	_ =	shalt  }
0x4d: {  	_ =	shalt  }
0x4e: {  	_ =	shalt  }
0x4f: {  	_ =	shalt  }
0x50: {  	_ =	shalt  }
0x51: {  	_ =	shalt  }
0x52: {  	_ =	shalt  }
0x53: {  	_ =	shalt  }
0x54: {  	_ =	shalt  }
0x55: {  	_ =	shalt  }
0x56: {  	_ =	shalt  }
0x57: {  	_ =	shalt  }
0x58: {  	_ =	shalt  }
0x59: {  	_ =	shalt  }
0x5a: {  	_ =	shalt  }
0x5b: {  	_ =	shalt  }
0x5c: {  	_ =	shalt  }
0x5d: {  	_ =	shalt  }
0x5e: {  	_ =	shalt  }
0x5f: {  	_ =	shalt  }
0x60: {  	_ =	shalt  }
0x61: {  	_ =	shalt  }
0x62: {  	_ =	shalt  }
0x63: {  	_ =	shalt  }
0x64: {  	_ =	shalt  }
0x65: {  	_ =	shalt  }
0x66: {  	_ =	shalt  }
0x67: {  	_ =	shalt  }
0x68: {  	_ =	shalt  }
0x69: {  	_ =	shalt  }
0x6a: {  	_ =	shalt  }
0x6b: {  	_ =	shalt  }
0x6c: {  	_ =	shalt  }
0x6d: {  	_ =	shalt  }
0x6e: {  	_ =	shalt  }
0x6f: {  	_ =	shalt  }
0x70: {  	_ =	shalt  }
0x71: {  	_ =	shalt  }
0x72: {  	_ =	shalt  }
0x73: {  	_ =	shalt  }
0x74: {  	_ =	shalt  }
0x75: {  	_ =	shalt  }
0x76: {  	_ =	shalt  }
0x77: {  	_ =	shalt  }
0x78: {  	_ =	shalt  }
0x79: {  	_ =	shalt  }
0x7a: {  	_ =	shalt  }
0x7b: {  	_ =	shalt  }
0x7c: {  	_ =	shalt  }
0x7d: {  	_ =	shalt  }
0x7e: {  	_ =	shalt  }
0x7f: {  	_ =	shalt  }
0x80: {  	_ =	shalt  }
0x81: {  	_ =	shalt  }
0x82: {  	_ =	shalt  }
0x83: {  	_ =	shalt  }
0x84: {  	_ =	shalt  }
0x85: {  	_ =	shalt  }
0x86: {  	_ =	shalt  }
0x87: {  	_ =	shalt  }
.Lfunc_end0:
.L_simem_size_0:
called_computation_lowered:
.L_overlay_start_0:
0x88: {  	s2 =	sld [smem:$0x3FD9]  }
0x89: {  	s3 =	sld [smem:$0x3FFE];
	_ =	sdelay $0x1  }
0x8a: {  	s1 =	srdreg.scid  }
0x8b: {  	s0 =	sand.u32 $0x1, s1  }
0x8c: {  	s17 =	sshll.u32 s0, $0xA;
	s2 =	sadd.s32 s3, s2  }
0x8d: {  	s2 =	sadd.s32 s2, s17  }
0x8e: {  	[smem:$0x3FBD] =	sst s2  }
0x8f: {  	_ = 	snop  }
0x90: {  	s2 =	sld [smem:$0x3FD0];
	(tm) =	ssettm $0x1  }
0x91: {  	s18 =	sld [smem:$0x3FFB];
	_ =	sdelay $0x3  }
0x92: {  	_ =	strace s18  }
0x93: {  	s3 =	sld [smem:$0x3FFC];
	_ =	sdelay $0x3  }
0x94: {  	_ =	strace s3  }
0x95: {  	s3 =	sld [smem:$0x3FFD];
	_ =	sdelay $0x3  }
0x96: {  	_ =	strace s3  }
0x97: {  	_ =	strace $0x8FFFFFFF  }
0x98: {  	s19 =	sld [smem:$0x3FDB];
	_ =	sdelay $0x1  }
0x99: {  	s4 =	simm.s32 $_scs_section_size  }
0x9a: {  	s5 =	simm.s32 $_size__tile_overlayer_lowered;
	s6 =	simm.s32 $_tile_overlayer_lowered  }
0x9b: {  	s22 =	simm.s32 $0x1BFF;
	s21 =	sshll.u32 s6, $0x1;
	s3 =	sadd.s32 s4, s19  }
0x9c: {  	s7 =	simm.s32 $0x0;
	s20 =	sshll.u32 s5, $0x1;
	s5 =	sadd.s32 s21, s3  }
0x9d: {  	[timem:s7], [sflag:s22] =	dma.local [hbm:s5], s20  }
0x9e: {  	_ =	swait.ge [sflag:s22], s20  }
0x9f: {  	s4 =	ssub.s32 $0x0, s20;
	[sflag:s22] =	ssyncset.done $0x0  }
0xa0: {  	[sflag:s22] =	ssyncadd.s32 s4;
	_ =	sdelay $0x1  }
0xa1: {  	s23 =	simm.s32 $0x1B8B  }
0xa2: {  	_ =	swait.ge [sflag:s23], $0x1  }
0xa3: {  	[sflag:s23] =	ssyncset.done $0x0  }
0xa4: {  	s25 =	simm.s32 $0x1B8E;
	s24 =	sld [smem:$0x3FFE];
	[sflag:s23] =	ssyncadd.s32 $0xFFFFFFFF  }
0xa5: {  	s26 =	simm.s32 $execute0_lowered;
	[smem:$0x3FD2] =	sst s25  }
0xa6: {  	s5 =	sshll.u32 s26, $0x1;
	_ =	strace $0x80000046;
	[dreg:$0x1] =	wrdreg $0xFFFFFFFF  }
0xa7: {  	s28 =	simm.s32 $_size_execute0_lowered;
	s3 =	sadd.s32 s3, s5;
	[dreg:$0x0] =	wrdreg $0x0  }
0xa8: {  	s5 =	sshll.u32 s28, $0x1;
	[dreg:$0x2] =	wrdreg s3  }
0xa9: {  	[dreg:$0x3] =	wrdreg s5  }
0xaa: {  	[dreg:$0x4] =	wrdreg $0xC0  }
0xab: {  	_ =	task [dreg:s7], $0x5FFFF  }
0xac: {  	[dreg:$0x1] =	wrdreg $0xFFFFFFFF  }
0xad: {  	[dreg:$0x0] =	wrdreg $0x60  }
0xae: {  	[dreg:$0x2] =	wrdreg s24  }
0xaf: {  	[dreg:$0x3] =	wrdreg s2  }
0xb0: {  	[dreg:$0x4] =	wrdreg $0x140000  }
0xb1: {  	[dreg:$0x5] =	wrdreg $0x9  }
0xb2: {  	_ =	task.clear_ibuf [dreg:s7], $0x6FFFF;
	_ =	strace $0x90000046  }
0xb3: {  	s29 =	simm.s32 $0x9;
	_ =	strace $0x80000048  }
0xb4: {  	_ =	swait.ge [sflag:s29], $0x1  }
0xb5: {  	[sflag:s29] =	ssyncadd.s32 $0xFFFFFFFF  }
0xb6: {  	_ =	strace $0x90000048  }
0xb7: {  	_ =	sfence  }
0xb8: {  	s30 =	sld [smem:$0x0];
	_ =	sdelay $0x2  }
0xb9: {  	s31 =	sshll.u32 s1, $0xD;
	s1 =	sshrl.u32 s1, $0x2  }
0xba: {  	s3 =	sand.u32 $0x4000, s31;
	s1 =	sadd.s32 s1, s30  }
0xbb: {  	s0 =	sor.u32 s3, s0;
	s1 =	sshll.u32 s1, $0x11  }
0xbc: {  	s0 =	sor.u32 s1, s0  }
0xbd: {  	s0 =	sadd.s32 $0x8F2B, s0  }
0xbe: {  	[sflag:s0] =	ssyncadd.remote.s32 $0x1  }
0xbf: {  	_ =	sfence.sel $0xFFFF  }
0xc0: {  	[dreg:$0x0] =	wrdreg $0xFFFFFFFF;
	(pc) =	sbr.abs _section_cstart, $3  }
0xc1: {  	[dreg:$0x1] =	wrdreg $0xFFFFFFFF  }
0xc2: {  	_ =	task.clear_ibuf [dreg:s7], $0x2FFFF;
	_ =	strace $0x9FFFFFFF  }
0xc3: {  	(tm) =	ssettm $0x7FFFFFFF  }
tec
execute0_lowered:
.L_overlay_start_1:
0x0: {  	(tag) =	ssettag $0x1  }
0x1: {  	s0 =	rddreg [dreg:$0x0]  }
0x2: {  	s1 =	rddreg [dreg:$0x1]  }
0x3: {  	s2 =	rddreg [dreg:$0x2];
	s13 =	stileid.u32  }
0x4: {  	s4 =	srdreg.scid;
	s3 =	simm.s32 $0x0;
	s14 =	simm.s32 $0x80  }
0x5: {  	s15 =	simm.s32 $0xA000;
	s16 =	simm.s32 $0xC000;
	s18 =	simm.s32 $0xE000  }
0x6: {  	s19 =	simm.s32 $0x1;
	s21 =	simm.s32 $0x10000;
	s24 =	simm.s32 $0x12000  }
0x7: {  	s29 =	simm.s32 $0x5180;
	s30 =	simm.s32 $0x300;
	s6 =	smul.u32 $0x5000, s13  }
0x8: {  	s31 =	simm.s32 $0x5200;
	s5 =	sand.u32 $0x1, s4;
	s7 =	smul.u32 $0x9E00, s13  }
0x9: {  	[smem:$0x7FF] =	sst s3;
	s4 =	sadd.s32 $0x1200, s0;
	s26 =	sshll.u32 s13, $0x6  }
0xa: {  	s13 =	simm.s32 $0x5000;
	s9 =	smul.u32 $0x9E000, s5;
	_ =	strace $0x80000047  }
0xb: {  	s10 =	ssub.s32 $0x2, s5;
	s11 =	smul.u32 $0x50000, s5;
	s5 =	sadd.s32 $0x32A00, s0  }
0xc: {  	s8 =	sshrl.u32 s6, $0x3;
	s12 =	sshrl.u32 s10, $0x1;
	s25 =	sadd.s32 s7, s2  }
0xd: {  	s8 =	sadd.s32 s8, s0;
	s9 =	sadd.s32 s7, s9;
	s10 =	ssub.s32 s10, s12  }
.Ltmp0:
0xe: {  	s6 =	sadd.s32 s6, s11;
	s11 =	sshrl.u32 s25, $0x3;
	(pc) =	sbr.rel .LBB2_1-.Ltmp0, $4  }
0xf: {  	s12 =	simm.s32 $0x3;
	s9 =	sshrl.u32 s9, $0x3;
	s28 =	sshrl.u32 s6, $0x3  }
0x10: {  	s6 =	sor.u32 $0x1C03, s26;
	s8 =	sadd.s32 $0x28A00, s8;
	s10 =	smax.u32 s10, $0x1  }
0x11: {  	s26 =	simm.s32 $0x2;
	s0 =	sadd.s32 s9, s0;
	s7 =	sadd.s32 s1, s28  }
0x12: {  	s1 =	simm.s32 $0x0;
	s9 =	sadd.s32 $0x33E00, s0;
	s0 =	simm.s32 $0x380  }
.LBB2_4:
0x13: {  	_ =	swait.ge [sflag:s26], $0x2000  }
0x14: {  	[sflag:s26] =	ssyncset.done $0x0  }
0x15: {  	[sflag:s26] =	ssyncadd.s32 $0xFFFFE000  }
0x16: {  	_ =	swait.ge [sflag:s26], $0x2000  }
0x17: {  	s1 =	sadd.s32 $0x1, s1;
	[sflag:s26] =	ssyncset.done $0x0  }
0x18: {  	p0 =	sne.s32 s1, s10;
	[sflag:s26] =	ssyncadd.s32 $0xFFFFE000  }
.Ltmp1:
0x19: {  	[bflag:$0x0] =	sbarrier.arrive $0xFFFF;
	(pc) =	sbr.rel @!p0 .LBB2_5-.Ltmp1, $4  }
0x1a: {  	[hbm:s9], [sflag:s6] =	dma.local [spmem:s11], $0x13C0  }
0x1b: {  	_ =	swait.ge [sflag:s12], $0x13C0  }
0x1c: {  	[sflag:s12] =	ssyncset.done $0x0  }
0x1d: {  	[sflag:s12] =	ssyncadd.s32 $0xFFFFEC40  }
.LBB2_1:
0x1e: {  	[spmem:s11], [sflag:s6] =	dma.local [hbm:s5], $0x13C0  }
0x1f: {  	_ =	swait.ge [sflag:s12], $0x13C0  }
0x20: {  	[sflag:s12] =	ssyncset.done $0x0  }
0x21: {  	[sflag:s12] =	ssyncadd.s32 $0xFFFFEC40  }
0x22: {  	[tilespmem:s3], [sflag:$0x3] =	stream.linear.gather [hbm4b:s7+s3], $0x5000, $0x38;
	[tilespmem:$0x1DE00] =	vst v63  }
0x23: {  	_ =	swait.ge [sflag:s12], $0x5000  }
0x24: {  	[sflag:s12] =	ssyncset.done $0x0  }
0x25: {  	[sflag:s12] =	ssyncadd.s32 $0xFFFFB000  }
0x26: {  	[tilespmem:s13], [sflag:$0x3] =	stream.linear.gather [hbm4b:s8+s3], $0x5000, $0x38;
	[tilespmem:$0x1DE00] =	vst v63  }
0x27: {  	_ =	swait.ge [sflag:s12], $0x5000  }
0x28: {  	[sflag:s12] =	ssyncset.done $0x0  }
0x29: {  	[sflag:s12] =	ssyncadd.s32 $0xFFFFB000  }
0x2a: {  	[bflag:$0x0] =	sbarrier.arrive $0xFFFF  }
0x2b: {  	[tilespmem:s15], [sflag:$0x1] =	stream.indirect.gather [hbm4b:s4+s14], $0x40, s3, s14, $0xb8;
	[tilespmem:$0x1DE00] =	vst v63  }
0x2c: {  	_ = 	snop  }
0x2d: {  	[tilespmem:s16], [sflag:$0x1] =	stream.indirect.gather [hbm4b:s4+s14], $0x40, s14, s14, $0xb8;
	[tilespmem:$0x1DE00] =	vst v63  }
0x2e: {  	s17 =	simm.s32 $0x100  }
0x2f: {  	[tilespmem:s18], [sflag:$0x1] =	stream.indirect.gather [hbm4b:s4+s14], $0x40, s17, s14, $0xb8;
	[tilespmem:$0x1DE00] =	vst v63  }
0x30: {  	_ =	swait.ge [sflag:s19], $0x2000  }
0x31: {  	[sflag:s19] =	ssyncset.done $0x0  }
0x32: {  	[sflag:s19] =	ssyncadd.s32 $0xFFFFE000  }
0x33: {  	[spmem:s2] =	stream.indirect.scatter.add.f32 [tilespmem:s15], [sflag:$0x2], $0x40, s13, s14, $0xb8;
	[tilespmem:$0x1DE00] =	vst v63  }
0x34: {  	s20 =	simm.s32 $0x180  }
0x35: {  	[tilespmem:s21], [sflag:$0x1] =	stream.indirect.gather [hbm4b:s4+s14], $0x40, s20, s14, $0xb8;
	[tilespmem:$0x1DE00] =	vst v63  }
0x36: {  	_ =	swait.ge [sflag:s19], $0x2000  }
0x37: {  	[sflag:s19] =	ssyncset.done $0x0  }
0x38: {  	s22 =	simm.s32 $0x5080;
	[sflag:s19] =	ssyncadd.s32 $0xFFFFE000  }
0x39: {  	[spmem:s2] =	stream.indirect.scatter.add.f32 [tilespmem:s16], [sflag:$0x2], $0x40, s22, s14, $0xb8;
	[tilespmem:$0x1DE00] =	vst v63  }
0x3a: {  	s23 =	simm.s32 $0x200  }
0x3b: {  	[tilespmem:s24], [sflag:$0x1] =	stream.indirect.gather [hbm4b:s4+s14], $0x40, s23, s14, $0xb8;
	[tilespmem:$0x1DE00] =	vst v63  }
0x3c: {  	_ =	swait.ge [sflag:s19], $0x2000  }
0x3d: {  	[sflag:s19] =	ssyncset.done $0x0  }
0x3e: {  	s25 =	simm.s32 $0x5100;
	[sflag:s19] =	ssyncadd.s32 $0xFFFFE000  }
0x3f: {  	[spmem:s2] =	stream.indirect.scatter.add.f32 [tilespmem:s18], [sflag:$0x2], $0x40, s25, s14, $0xb8;
	[tilespmem:$0x1DE00] =	vst v63  }
0x40: {  	_ =	swait.ge [sflag:s26], $0x2000  }
0x41: {  	[sflag:s26] =	ssyncset.done $0x0  }
0x42: {  	s28 =	simm.s32 $0x280;
	[sflag:s26] =	ssyncadd.s32 $0xFFFFE000  }
0x43: {  	[tilespmem:s15], [sflag:$0x1] =	stream.indirect.gather [hbm4b:s4+s14], $0x40, s28, s14, $0xb8;
	[tilespmem:$0x1DE00] =	vst v63  }
0x44: {  	_ =	swait.ge [sflag:s19], $0x2000  }
0x45: {  	[sflag:s19] =	ssyncset.done $0x0  }
0x46: {  	[sflag:s19] =	ssyncadd.s32 $0xFFFFE000  }
0x47: {  	[spmem:s2] =	stream.indirect.scatter.add.f32 [tilespmem:s21], [sflag:$0x2], $0x40, s29, s14, $0xb8;
	[tilespmem:$0x1DE00] =	vst v63  }
0x48: {  	_ =	swait.ge [sflag:s26], $0x2000  }
0x49: {  	[sflag:s26] =	ssyncset.done $0x0  }
0x4a: {  	[sflag:s26] =	ssyncadd.s32 $0xFFFFE000  }
0x4b: {  	[tilespmem:s16], [sflag:$0x1] =	stream.indirect.gather [hbm4b:s4+s14], $0x40, s30, s14, $0xb8;
	[tilespmem:$0x1DE00] =	vst v63  }
0x4c: {  	_ =	swait.ge [sflag:s19], $0x2000  }
0x4d: {  	[sflag:s19] =	ssyncset.done $0x0  }
0x4e: {  	[sflag:s19] =	ssyncadd.s32 $0xFFFFE000  }
0x4f: {  	[spmem:s2] =	stream.indirect.scatter.add.f32 [tilespmem:s24], [sflag:$0x2], $0x40, s31, s14, $0xb8;
	[tilespmem:$0x1DE00] =	vst v63  }
0x50: {  	_ =	swait.ge [sflag:s26], $0x2000  }
0x51: {  	[sflag:s26] =	ssyncset.done $0x0  }
0x52: {  	s17 =	simm.s32 $0x0;
	[sflag:s26] =	ssyncadd.s32 $0xFFFFE000  }
0x53: {  	[tilespmem:s18], [sflag:$0x1] =	stream.indirect.gather [hbm4b:s4+s14], $0x40, s0, s14, $0xb8;
	[tilespmem:$0x1DE00] =	vst v63  }
.LBB2_2:
0x54: {  	_ =	swait.ge [sflag:s19], $0x2000  }
0x55: {  	s20 =	sshra.s32 s17, $0x2;
	[sflag:s19] =	ssyncset.done $0x0  }
0x56: {  	s22 =	sadd.s32 $0x5280, s20;
	[sflag:s19] =	ssyncadd.s32 $0xFFFFE000  }
0x57: {  	[spmem:s2] =	stream.indirect.scatter.add.f32 [tilespmem:s15], [sflag:$0x2], $0x40, s22, s14, $0xb8;
	[tilespmem:$0x1DE00] =	vst v63  }
0x58: {  	_ =	swait.ge [sflag:s26], $0x2000  }
0x59: {  	[sflag:s26] =	ssyncset.done $0x0  }
0x5a: {  	s25 =	sadd.s32 $0x400, s20;
	[sflag:s26] =	ssyncadd.s32 $0xFFFFE000  }
0x5b: {  	[tilespmem:s21], [sflag:$0x1] =	stream.indirect.gather [hbm4b:s4+s14], $0x40, s25, s14, $0xb8;
	[tilespmem:$0x1DE00] =	vst v63  }
0x5c: {  	_ =	swait.ge [sflag:s19], $0x2000  }
0x5d: {  	[sflag:s19] =	ssyncset.done $0x0  }
0x5e: {  	s28 =	sadd.s32 $0x5300, s20;
	[sflag:s19] =	ssyncadd.s32 $0xFFFFE000  }
0x5f: {  	[spmem:s2] =	stream.indirect.scatter.add.f32 [tilespmem:s16], [sflag:$0x2], $0x40, s28, s14, $0xb8;
	[tilespmem:$0x1DE00] =	vst v63  }
0x60: {  	_ =	swait.ge [sflag:s26], $0x2000  }
0x61: {  	[sflag:s26] =	ssyncset.done $0x0  }
0x62: {  	s23 =	sadd.s32 $0x480, s20;
	[sflag:s26] =	ssyncadd.s32 $0xFFFFE000  }
0x63: {  	[tilespmem:s24], [sflag:$0x1] =	stream.indirect.gather [hbm4b:s4+s14], $0x40, s23, s14, $0xb8;
	[tilespmem:$0x1DE00] =	vst v63  }
0x64: {  	_ =	swait.ge [sflag:s19], $0x2000  }
0x65: {  	[sflag:s19] =	ssyncset.done $0x0  }
0x66: {  	s25 =	sadd.s32 $0x5380, s20;
	[sflag:s19] =	ssyncadd.s32 $0xFFFFE000  }
0x67: {  	[spmem:s2] =	stream.indirect.scatter.add.f32 [tilespmem:s18], [sflag:$0x2], $0x40, s25, s14, $0xb8;
	[tilespmem:$0x1DE00] =	vst v63  }
0x68: {  	_ =	swait.ge [sflag:s26], $0x2000  }
0x69: {  	p0 =	seq.s32 s17, $0x12C00;
	[sflag:s26] =	ssyncset.done $0x0  }
0x6a: {  	s22 =	simm.s32 @p0 $0x1;
	[sflag:s26] =	ssyncadd.s32 $0xFFFFE000  }
0x6b: {  	_ =	swait.ge @p0 [sflag:s22], $0x2000  }
0x6c: {  	[sflag:s22] =	ssyncset.done @p0 $0x0  }
0x6d: {  	[sflag:s22] =	ssyncadd.s32 @p0 $0xFFFFE000;
	s22 =	sshra.s32 @p0 s17, $0x2  }
0x6e: {  	s23 =	simm.s32 @p0 $0x80;
	s25 =	simm.s32 @p0 $0x10000;
	s22 =	sadd.s32 @p0 $0x5400, s22  }
0x6f: {  	[spmem:s2] =	stream.indirect.scatter.add.f32 @p0 [tilespmem:s25], [sflag:$0x2], $0x40, s22, s23, $0xb8;
	[tilespmem:$0x1DE00] =	vst v63  }
0x70: {  	s22 =	simm.s32 @p0 $0x2  }
0x71: {  	_ =	swait.ge @p0 [sflag:s22], $0x2000  }
0x72: {  	[sflag:s22] =	ssyncset.done @p0 $0x0  }
0x73: {  	[sflag:s22] =	ssyncadd.s32 @p0 $0xFFFFE000;
	s22 =	sshra.s32 @!p0 s17, $0x2  }
0x74: {  	s28 =	simm.s32 @!p0 $0xA000;
	s25 =	simm.s32 @!p0 $0x80;
	s23 =	sadd.s32 @!p0 $0x500, s22  }
0x75: {  	[tilespmem:s28], [sflag:$0x1] =	stream.indirect.gather @!p0 [hbm4b:s4+s25], $0x40, s23, s25, $0xb8;
	[tilespmem:$0x1DE00] =	vst v63  }
0x76: {  	s23 =	simm.s32 @!p0 $0x1  }
0x77: {  	_ =	swait.ge @!p0 [sflag:s23], $0x2000  }
0x78: {  	[sflag:s23] =	ssyncset.done @!p0 $0x0  }
0x79: {  	s28 =	simm.s32 @!p0 $0x10000;
	[sflag:s23] =	ssyncadd.s32 @!p0 $0xFFFFE000;
	s23 =	sadd.s32 @!p0 $0x5400, s22  }
0x7a: {  	[spmem:s2] =	stream.indirect.scatter.add.f32 @!p0 [tilespmem:s28], [sflag:$0x2], $0x40, s23, s25, $0xb8;
	[tilespmem:$0x1DE00] =	vst v63  }
0x7b: {  	s23 =	simm.s32 @!p0 $0x2  }
0x7c: {  	_ =	swait.ge @!p0 [sflag:s23], $0x2000  }
0x7d: {  	[sflag:s23] =	ssyncset.done @!p0 $0x0  }
0x7e: {  	s22 =	sadd.s32 @!p0 $0x580, s22;
	[sflag:s23] =	ssyncadd.s32 @!p0 $0xFFFFE000;
	s23 =	simm.s32 @!p0 $0xC000  }
0x7f: {  	[tilespmem:s23], [sflag:$0x1] =	stream.indirect.gather @!p0 [hbm4b:s4+s25], $0x40, s22, s25, $0xb8;
	[tilespmem:$0x1DE00] =	vst v63  }
0x80: {  	_ =	swait.ge [sflag:s19], $0x2000  }
0x81: {  	[sflag:s19] =	ssyncset.done $0x0  }
.Ltmp2:
0x82: {  	s28 =	sadd.s32 $0x5480, s20;
	[sflag:s19] =	ssyncadd.s32 $0xFFFFE000;
	(pc) =	sbr.rel @p0 .LBB2_4-.Ltmp2, $4  }
0x83: {  	[spmem:s2] =	stream.indirect.scatter.add.f32 [tilespmem:s24], [sflag:$0x2], $0x40, s28, s14, $0xb8;
	[tilespmem:$0x1DE00] =	vst v63  }
0x84: {  	_ =	swait.ge [sflag:s26], $0x2000  }
0x85: {  	[sflag:s26] =	ssyncset.done $0x0  }
0x86: {  	[sflag:s26] =	ssyncadd.s32 $0xFFFFE000  }
.Ltmp3:
0x87: {  	(pc) =	sbr.rel .LBB2_2-.Ltmp3, $3  }
0x88: {  	_ =	sdelay $0x1  }
0x89: {  	s20 =	sadd.s32 $0x600, s20;
	s17 =	sadd.s32 $0xA00, s17  }
0x8a: {  	[tilespmem:s18], [sflag:$0x1] =	stream.indirect.gather [hbm4b:s4+s14], $0x40, s20, s14, $0xb8;
	[tilespmem:$0x1DE00] =	vst v63  }
.LBB2_5:
0x8b: {  	_ =	sfence.sel $0x180000  }
0x8c: {  	[bflag:$0x0] =	sbarrier.arrive $0xFFFF  }
0x8d: {  	_ =	strace $0x90000047  }
0x8e: {  	s0 =	stileid.u32;
	[bflag:$0x2] =	sbarrier.arrive $0xFFFF  }
0x8f: {  	p0 =	sne.s32 s0, $0x0;
	s0 =	rddreg [dreg:$0x3]  }
0x90: {  	s0 =	sadd.s32 @!p0 $0x100000, s0  }
0x91: {  	[sflag:s0] =	ssyncadd.tile.s32 @!p0 $0x1;
	_ =	shalt  }
.Lfunc_end2:
_tile_overlayer_lowered:
.L_overlay_start_2:
0x92: {  	(tag) =	ssettag $0x2  }
0x93: {  	s0 =	rddreg [dreg:$0x0];
	s2 =	stileid.u32  }
0x94: {  	s1 =	rddreg [dreg:$0x1];
	p0 =	sne.s32 s2, $0x0  }
0x95: {  	s3 =	rddreg [dreg:$0x2];
	[bflag:$0x3] =	sbarrier.arrive $0xFFFF;
	s2 =	simm.s32 @!p0 $0x1C03  }
0x96: {  	[timem:s3], [sflag:s2] =	dma.local @!p0 [hbm:s0], s1  }
0x97: {  	s0 =	simm.s32 @!p0 $0x3  }
0x98: {  	_ =	swait.ge @!p0 [sflag:s0], s1  }
0x99: {  	s1 =	ssub.s32 @!p0 $0x0, s1;
	[sflag:s0] =	ssyncset.done @!p0 $0x0  }
0x9a: {  	[sflag:s0] =	ssyncadd.s32 @!p0 s1  }
0x9b: {  	[bflag:$0x3] =	sbarrier.arrive $0xFFFF  }
0x9c: {  	_ =	shalt  }

</sc_bundles>
